<compile_context>
chip_gen: v7x
topology: tpu7x:2x2x1
jax: 0.10.2.dev20260603
libtpu: 0.0.44.dev20260713+nightly
codegen_flags: <defaults>
</compile_context>

<pallas_src>
import functools

import jax
import jax.numpy as jnp
from jax import lax
from jax.experimental import pallas as pl
from jax.experimental.pallas import tpu as pltpu
from jax.experimental.pallas import tpu_sc as plsc

B = 4096
L = 200
D = 64
H = 64
NCLS = 2

_L0 = 104
_L1 = L - _L0
NBUF = 4
LOOKAHEAD = 3
UNROLL = 8
_N_ITERS = L // UNROLL


def _sc_pool(idx, table):
    info = plsc.get_sparse_core_info()
    nc, ns = info.num_cores, info.num_subcores
    nw = nc * ns
    bpw = B // nw

    mesh = plsc.VectorSubcoreMesh(core_axis_name="c", subcore_axis_name="s")

    @functools.partial(
        pl.kernel,
        mesh=mesh,
        compiler_params=pltpu.CompilerParams(use_tc_tiling_on_sc=False),
        out_type=jax.ShapeDtypeStruct((B, D), jnp.float32),
        scratch_types=[
            pltpu.VMEM((bpw, L), jnp.int32),
            pltpu.VMEM((NBUF, L, D), jnp.float32),
            pltpu.VMEM((bpw, D), jnp.float32),
            pltpu.SemaphoreType.DMA,
            pltpu.SemaphoreType.DMA,
            pltpu.SemaphoreType.DMA,
            pltpu.SemaphoreType.DMA,
        ],
    )
    def k(idx_hbm, table_hbm, out_hbm, idx_v, rows_v, pooled_v, s0, s1, s2, s3):
        sems = (s0, s1, s2, s3)
        wid = lax.axis_index("s") * nc + lax.axis_index("c")
        base = wid * bpw
        pltpu.sync_copy(idx_hbm.at[pl.ds(base, bpw)], idx_v)

        def issue(b, u):
            pltpu.make_async_copy(
                table_hbm.at[idx_v.at[b, pl.ds(0, _L0)]],
                rows_v.at[u, pl.ds(0, _L0)],
                sems[u],
            ).start()
            pltpu.make_async_copy(
                table_hbm.at[idx_v.at[b, pl.ds(_L0, _L1)]],
                rows_v.at[u, pl.ds(_L0, _L1)],
                sems[u],
            ).start()

        def wait(u):
            pltpu.make_async_copy(
                table_hbm.at[idx_v.at[0, pl.ds(0, _L0)]],
                rows_v.at[u, pl.ds(0, _L0)],
                sems[u],
            ).wait()
            pltpu.make_async_copy(
                table_hbm.at[idx_v.at[0, pl.ds(_L0, _L1)]],
                rows_v.at[u, pl.ds(_L0, _L1)],
                sems[u],
            ).wait()

        for u in range(LOOKAHEAD):
            issue(u, u)

        def group(g, carry):
            for u in range(NBUF):
                b = g * NBUF + u
                wait(u)
                nb = b + LOOKAHEAD

                @pl.when(nb < bpw)
                def _():
                    issue(nb, (u + LOOKAHEAD) % NBUF)

                def acc_body(i, acc):
                    a0, a1, a2, a3 = acc
                    r0 = i * UNROLL
                    for r in range(UNROLL):
                        row = r0 + r
                        a0 = a0 + rows_v[u, row, pl.ds(0, 16)]
                        a1 = a1 + rows_v[u, row, pl.ds(16, 16)]
                        a2 = a2 + rows_v[u, row, pl.ds(32, 16)]
                        a3 = a3 + rows_v[u, row, pl.ds(48, 16)]
                    return a0, a1, a2, a3

                z = jnp.zeros((16,), jnp.float32)
                a0, a1, a2, a3 = lax.fori_loop(0, _N_ITERS, acc_body, (z, z, z, z))
                pooled_v[b, pl.ds(0, 16)] = a0
                pooled_v[b, pl.ds(16, 16)] = a1
                pooled_v[b, pl.ds(32, 16)] = a2
                pooled_v[b, pl.ds(48, 16)] = a3
            return carry

        lax.fori_loop(0, bpw // NBUF, group, 0)
        pltpu.sync_copy(pooled_v, out_hbm.at[pl.ds(base, bpw)])

    return k(idx, table)


def _mlp_body(x_ref, w1_ref, b1_ref, w2_ref, b2_ref, o_ref):
    h = jnp.dot(x_ref[...], w1_ref[...], preferred_element_type=jnp.float32)
    h = jnp.maximum(h + b1_ref[...], 0.0)
    out = jnp.dot(h, w2_ref[...], preferred_element_type=jnp.float32) + b2_ref[...]
    o_ref[...] = out[:, :NCLS]


def _tc_mlp(pooled, W1, b1, W2p, b2p):
    return pl.pallas_call(
        _mlp_body,
        out_shape=jax.ShapeDtypeStruct((B, NCLS), jnp.float32),
    )(pooled, W1, b1, W2p, b2p)


def kernel(inputs, table, W1, b1, W2, b2):
    idx = inputs.astype(jnp.int32) * 2
    table2 = jnp.pad(table, ((0, 0), (0, D))).reshape(2 * table.shape[0], D)
    pooled = _sc_pool(idx, table2)
    W1s = W1 * jnp.float32(1.0 / L)
    W2p = jnp.pad(W2, ((0, 0), (0, 128 - NCLS)))
    b2p = jnp.pad(b2, (0, 128 - NCLS)).reshape(1, 128)
    return _tc_mlp(pooled, W1s, b1.reshape(1, H), W2p, b2p)

# --- scband reference (transcript-rebuilt; emitter-appended) ---
"""Pipeline reference for scband-fast-text-35991825940639 (READ-ONLY COPY).

The authoritative reference and input builder live on the scoring server;
editing this copy changes nothing except your own understanding.
"""

import jax, jax.numpy as jnp
import numpy as np


def setup_inputs(seed: int = 0) -> dict:
    key = jax.random.key(seed)
    k1, k2, k3, k4 = jax.random.split(key, 4)
    inputs = jax.random.randint(k1, (4096, 200), 0, 100000, dtype=jnp.int64)
    table = jax.random.normal(k2, (100000, 64), dtype=jnp.float32) * 0.05
    W1 = jax.random.normal(k3, (64, 64), dtype=jnp.float32) * 0.1
    b1 = jnp.zeros((64,), dtype=jnp.float32)
    W2 = jax.random.normal(k4, (64, 2), dtype=jnp.float32) * 0.1
    b2 = jnp.zeros((2,), dtype=jnp.float32)
    return {"inputs": inputs, "table": table, "W1": W1, "b1": b1, "W2": W2, "b2": b2}


def reference(inputs, table, W1, b1, W2, b2):
    # Embedding lookup: [B, L] -> [B, L, D]
    x = jnp.take(table, inputs, axis=0)
    # GlobalAveragePooling1D over the sequence axis
    x = jnp.mean(x, axis=1)
    # Dense(64, relu)
    x = jax.nn.relu(jnp.dot(x, W1) + b1)
    # Dense(num_class) logits
    logits = jnp.dot(x, W2) + b2
    return logits

if __name__ == "__main__":
    import jax
    _d = setup_inputs()
    print(jax.jit(kernel)(*tuple(_d.values())))

</pallas_src>

<mosaic_0001>
#map = affine_map<(d0, d1) -> (0, 0)>
module attributes {stable_mosaic.version = 14 : i64} {
  func.func @k(%arg0: i32, %arg1: i32, %arg2: memref<4096x200xi32, #tpu.memory_space<hbm>>, %arg3: memref<200000x64xf32, #tpu.memory_space<hbm>>, %arg4: memref<4096x64xf32, #tpu.memory_space<hbm>>, %arg5: memref<128x200xi32, #tpu.memory_space<vmem>>, %arg6: memref<4x200x64xf32, #tpu.memory_space<vmem>>, %arg7: memref<128x64xf32, #tpu.memory_space<vmem>>, %arg8: memref<!tpu.dma_semaphore, #tpu.memory_space<semaphore_mem>>, %arg9: memref<!tpu.dma_semaphore, #tpu.memory_space<semaphore_mem>>, %arg10: memref<!tpu.dma_semaphore, #tpu.memory_space<semaphore_mem>>, %arg11: memref<!tpu.dma_semaphore, #tpu.memory_space<semaphore_mem>>) attributes {dimension_semantics = [#tpu.dimension_semantics<core_parallel>, #tpu.dimension_semantics<subcore_parallel>], iteration_bounds = array<i64: 2, 16>, scalar_prefetch = 0 : i64, scratch_operands = 7 : i64, tpu.core_type = #tpu.core_type<sc_vector_subcore>, window_params = [{transform_indices = #map}, {transform_indices = #map}, {transform_indices = #map}]} {
    %mul3A = arith.constant 2 : i32
    %mul3A_0 = arith.muli %arg1, %mul3A : i32
    %add3A = arith.addi %mul3A_0, %arg0 : i32
    %mul3A_1 = arith.constant 128 : i32
    %mul3A_2 = arith.muli %add3A, %mul3A_1 : i32
    "tpu.region"() ({
      %run_scoped3A = tpu.sem_alloc : memref<!tpu.dma_semaphore, #tpu.memory_space<semaphore_mem>>
      %dma_start3A_79 = arith.constant 0 : i32
      %dma_start3A_80 = tpu.memref_slice %arg2[%mul3A_2, %dma_start3A_79] : memref<4096x200xi32, #tpu.memory_space<hbm>> -> memref<128x200xi32, #tpu.memory_space<hbm>>
      %dma_start3A_81 = arith.constant 0 : i32
      %dma_start3A_82 = tpu.memref_slice %arg2[%mul3A_2, %dma_start3A_81] : memref<4096x200xi32, #tpu.memory_space<hbm>> -> memref<128x200xi32, #tpu.memory_space<hbm>>
      tpu.enqueue_dma source(%dma_start3A_82 : memref<128x200xi32, #tpu.memory_space<hbm>>) target(%arg5 : memref<128x200xi32, #tpu.memory_space<vmem>>) target_semaphore(%run_scoped3A : memref<!tpu.dma_semaphore, #tpu.memory_space<semaphore_mem>>)
      %dma_wait3A = arith.constant 0 : i32
      %dma_wait3A_83 = tpu.memref_slice %arg2[%mul3A_2, %dma_wait3A] : memref<4096x200xi32, #tpu.memory_space<hbm>> -> memref<128x200xi32, #tpu.memory_space<hbm>>
      %dma_wait3A_84 = arith.constant 0 : i32
      %dma_wait3A_85 = tpu.memref_slice %arg2[%mul3A_2, %dma_wait3A_84] : memref<4096x200xi32, #tpu.memory_space<hbm>> -> memref<128x200xi32, #tpu.memory_space<hbm>>
      tpu.wait_dma2 semaphore(%run_scoped3A : memref<!tpu.dma_semaphore, #tpu.memory_space<semaphore_mem>>) src(%dma_wait3A_85 : memref<128x200xi32, #tpu.memory_space<hbm>>) dst(%arg5 : memref<128x200xi32, #tpu.memory_space<vmem>>)
      tpu.yield
    }) : () -> ()
    %dma_start3A = arith.constant 0 : i32
    %dma_start3A_3 = arith.constant 0 : i32
    %dma_start3A_4 = arith.constant 0 : i32
    %dma_start3A_5 = arith.constant 0 : i32
    %dma_start3A_6 = tpu.memref_slice %arg6[%dma_start3A_3, %dma_start3A_4, %dma_start3A_5] : memref<4x200x64xf32, #tpu.memory_space<vmem>> -> memref<1x104x64xf32, #tpu.memory_space<vmem>>
    %dma_start3A_7 = tpu.memref_squeeze %dma_start3A_6 : memref<1x104x64xf32, #tpu.memory_space<vmem>> -> memref<104x64xf32, #tpu.memory_space<vmem>>
    %dma_start3A_8 = arith.constant 0 : i32
    %dma_start3A_9 = tpu.memref_slice %arg5[%dma_start3A, %dma_start3A_8] : memref<128x200xi32, #tpu.memory_space<vmem>> -> memref<1x104xi32, #tpu.memory_space<vmem>>
    %dma_start3A_10 = tpu.memref_squeeze %dma_start3A_9 : memref<1x104xi32, #tpu.memory_space<vmem>> -> memref<104xi32, #tpu.memory_space<vmem>>
    %dma_start3A_11 = arith.constant 0 : i32
    %dma_start3A_12 = arith.constant 0 : i32
    %dma_start3A_13 = tpu.memref_slice %arg3[%dma_start3A_11, %dma_start3A_12] : memref<200000x64xf32, #tpu.memory_space<hbm>> -> memref<200000x64xf32, #tpu.memory_space<hbm>>
    tpu.enqueue_indirect_dma source(%dma_start3A_13 : memref<200000x64xf32, #tpu.memory_space<hbm>>) target(%dma_start3A_7 : memref<104x64xf32, #tpu.memory_space<vmem>>) offsets(%dma_start3A_10 : memref<104xi32, #tpu.memory_space<vmem>>) semaphore(%arg8 : memref<!tpu.dma_semaphore, #tpu.memory_space<semaphore_mem>>)
    %dma_start3A_14 = arith.constant 0 : i32
    %dma_start3A_15 = arith.constant 0 : i32
    %dma_start3A_16 = arith.constant 104 : i32
    %dma_start3A_17 = arith.constant 0 : i32
    %dma_start3A_18 = tpu.memref_slice %arg6[%dma_start3A_15, %dma_start3A_16, %dma_start3A_17] : memref<4x200x64xf32, #tpu.memory_space<vmem>> -> memref<1x96x64xf32, #tpu.memory_space<vmem>>
    %dma_start3A_19 = tpu.memref_squeeze %dma_start3A_18 : memref<1x96x64xf32, #tpu.memory_space<vmem>> -> memref<96x64xf32, #tpu.memory_space<vmem>>
    %dma_start3A_20 = arith.constant 104 : i32
    %dma_start3A_21 = tpu.memref_slice %arg5[%dma_start3A_14, %dma_start3A_20] : memref<128x200xi32, #tpu.memory_space<vmem>> -> memref<1x96xi32, #tpu.memory_space<vmem>>
    %dma_start3A_22 = tpu.memref_squeeze %dma_start3A_21 : memref<1x96xi32, #tpu.memory_space<vmem>> -> memref<96xi32, #tpu.memory_space<vmem>>
    %dma_start3A_23 = arith.constant 0 : i32
    %dma_start3A_24 = arith.constant 0 : i32
    %dma_start3A_25 = tpu.memref_slice %arg3[%dma_start3A_23, %dma_start3A_24] : memref<200000x64xf32, #tpu.memory_space<hbm>> -> memref<200000x64xf32, #tpu.memory_space<hbm>>
    tpu.enqueue_indirect_dma source(%dma_start3A_25 : memref<200000x64xf32, #tpu.memory_space<hbm>>) target(%dma_start3A_19 : memref<96x64xf32, #tpu.memory_space<vmem>>) offsets(%dma_start3A_22 : memref<96xi32, #tpu.memory_space<vmem>>) semaphore(%arg8 : memref<!tpu.dma_semaphore, #tpu.memory_space<semaphore_mem>>)
    %dma_start3A_26 = arith.constant 1 : i32
    %dma_start3A_27 = arith.constant 1 : i32
    %dma_start3A_28 = arith.constant 0 : i32
    %dma_start3A_29 = arith.constant 0 : i32
    %dma_start3A_30 = tpu.memref_slice %arg6[%dma_start3A_27, %dma_start3A_28, %dma_start3A_29] : memref<4x200x64xf32, #tpu.memory_space<vmem>> -> memref<1x104x64xf32, #tpu.memory_space<vmem>>
    %dma_start3A_31 = tpu.memref_squeeze %dma_start3A_30 : memref<1x104x64xf32, #tpu.memory_space<vmem>> -> memref<104x64xf32, #tpu.memory_space<vmem>>
    %dma_start3A_32 = arith.constant 0 : i32
    %dma_start3A_33 = tpu.memref_slice %arg5[%dma_start3A_26, %dma_start3A_32] : memref<128x200xi32, #tpu.memory_space<vmem>> -> memref<1x104xi32, #tpu.memory_space<vmem>>
    %dma_start3A_34 = tpu.memref_squeeze %dma_start3A_33 : memref<1x104xi32, #tpu.memory_space<vmem>> -> memref<104xi32, #tpu.memory_space<vmem>>
    %dma_start3A_35 = arith.constant 0 : i32
    %dma_start3A_36 = arith.constant 0 : i32
    %dma_start3A_37 = tpu.memref_slice %arg3[%dma_start3A_35, %dma_start3A_36] : memref<200000x64xf32, #tpu.memory_space<hbm>> -> memref<200000x64xf32, #tpu.memory_space<hbm>>
    tpu.enqueue_indirect_dma source(%dma_start3A_37 : memref<200000x64xf32, #tpu.memory_space<hbm>>) target(%dma_start3A_31 : memref<104x64xf32, #tpu.memory_space<vmem>>) offsets(%dma_start3A_34 : memref<104xi32, #tpu.memory_space<vmem>>) semaphore(%arg9 : memref<!tpu.dma_semaphore, #tpu.memory_space<semaphore_mem>>)
    %dma_start3A_38 = arith.constant 1 : i32
    %dma_start3A_39 = arith.constant 1 : i32
    %dma_start3A_40 = arith.constant 104 : i32
    %dma_start3A_41 = arith.constant 0 : i32
    %dma_start3A_42 = tpu.memref_slice %arg6[%dma_start3A_39, %dma_start3A_40, %dma_start3A_41] : memref<4x200x64xf32, #tpu.memory_space<vmem>> -> memref<1x96x64xf32, #tpu.memory_space<vmem>>
    %dma_start3A_43 = tpu.memref_squeeze %dma_start3A_42 : memref<1x96x64xf32, #tpu.memory_space<vmem>> -> memref<96x64xf32, #tpu.memory_space<vmem>>
    %dma_start3A_44 = arith.constant 104 : i32
    %dma_start3A_45 = tpu.memref_slice %arg5[%dma_start3A_38, %dma_start3A_44] : memref<128x200xi32, #tpu.memory_space<vmem>> -> memref<1x96xi32, #tpu.memory_space<vmem>>
    %dma_start3A_46 = tpu.memref_squeeze %dma_start3A_45 : memref<1x96xi32, #tpu.memory_space<vmem>> -> memref<96xi32, #tpu.memory_space<vmem>>
    %dma_start3A_47 = arith.constant 0 : i32
    %dma_start3A_48 = arith.constant 0 : i32
    %dma_start3A_49 = tpu.memref_slice %arg3[%dma_start3A_47, %dma_start3A_48] : memref<200000x64xf32, #tpu.memory_space<hbm>> -> memref<200000x64xf32, #tpu.memory_space<hbm>>
    tpu.enqueue_indirect_dma source(%dma_start3A_49 : memref<200000x64xf32, #tpu.memory_space<hbm>>) target(%dma_start3A_43 : memref<96x64xf32, #tpu.memory_space<vmem>>) offsets(%dma_start3A_46 : memref<96xi32, #tpu.memory_space<vmem>>) semaphore(%arg9 : memref<!tpu.dma_semaphore, #tpu.memory_space<semaphore_mem>>)
    %dma_start3A_50 = arith.constant 2 : i32
    %dma_start3A_51 = arith.constant 2 : i32
    %dma_start3A_52 = arith.constant 0 : i32
    %dma_start3A_53 = arith.constant 0 : i32
    %dma_start3A_54 = tpu.memref_slice %arg6[%dma_start3A_51, %dma_start3A_52, %dma_start3A_53] : memref<4x200x64xf32, #tpu.memory_space<vmem>> -> memref<1x104x64xf32, #tpu.memory_space<vmem>>
    %dma_start3A_55 = tpu.memref_squeeze %dma_start3A_54 : memref<1x104x64xf32, #tpu.memory_space<vmem>> -> memref<104x64xf32, #tpu.memory_space<vmem>>
    %dma_start3A_56 = arith.constant 0 : i32
    %dma_start3A_57 = tpu.memref_slice %arg5[%dma_start3A_50, %dma_start3A_56] : memref<128x200xi32, #tpu.memory_space<vmem>> -> memref<1x104xi32, #tpu.memory_space<vmem>>
    %dma_start3A_58 = tpu.memref_squeeze %dma_start3A_57 : memref<1x104xi32, #tpu.memory_space<vmem>> -> memref<104xi32, #tpu.memory_space<vmem>>
    %dma_start3A_59 = arith.constant 0 : i32
    %dma_start3A_60 = arith.constant 0 : i32
    %dma_start3A_61 = tpu.memref_slice %arg3[%dma_start3A_59, %dma_start3A_60] : memref<200000x64xf32, #tpu.memory_space<hbm>> -> memref<200000x64xf32, #tpu.memory_space<hbm>>
    tpu.enqueue_indirect_dma source(%dma_start3A_61 : memref<200000x64xf32, #tpu.memory_space<hbm>>) target(%dma_start3A_55 : memref<104x64xf32, #tpu.memory_space<vmem>>) offsets(%dma_start3A_58 : memref<104xi32, #tpu.memory_space<vmem>>) semaphore(%arg10 : memref<!tpu.dma_semaphore, #tpu.memory_space<semaphore_mem>>)
    %dma_start3A_62 = arith.constant 2 : i32
    %dma_start3A_63 = arith.constant 2 : i32
    %dma_start3A_64 = arith.constant 104 : i32
    %dma_start3A_65 = arith.constant 0 : i32
    %dma_start3A_66 = tpu.memref_slice %arg6[%dma_start3A_63, %dma_start3A_64, %dma_start3A_65] : memref<4x200x64xf32, #tpu.memory_space<vmem>> -> memref<1x96x64xf32, #tpu.memory_space<vmem>>
    %dma_start3A_67 = tpu.memref_squeeze %dma_start3A_66 : memref<1x96x64xf32, #tpu.memory_space<vmem>> -> memref<96x64xf32, #tpu.memory_space<vmem>>
    %dma_start3A_68 = arith.constant 104 : i32
    %dma_start3A_69 = tpu.memref_slice %arg5[%dma_start3A_62, %dma_start3A_68] : memref<128x200xi32, #tpu.memory_space<vmem>> -> memref<1x96xi32, #tpu.memory_space<vmem>>
    %dma_start3A_70 = tpu.memref_squeeze %dma_start3A_69 : memref<1x96xi32, #tpu.memory_space<vmem>> -> memref<96xi32, #tpu.memory_space<vmem>>
    %dma_start3A_71 = arith.constant 0 : i32
    %dma_start3A_72 = arith.constant 0 : i32
    %dma_start3A_73 = tpu.memref_slice %arg3[%dma_start3A_71, %dma_start3A_72] : memref<200000x64xf32, #tpu.memory_space<hbm>> -> memref<200000x64xf32, #tpu.memory_space<hbm>>
    tpu.enqueue_indirect_dma source(%dma_start3A_73 : memref<200000x64xf32, #tpu.memory_space<hbm>>) target(%dma_start3A_67 : memref<96x64xf32, #tpu.memory_space<vmem>>) offsets(%dma_start3A_70 : memref<96xi32, #tpu.memory_space<vmem>>) semaphore(%arg10 : memref<!tpu.dma_semaphore, #tpu.memory_space<semaphore_mem>>)
    %scan3A = arith.constant 0 : i32
    %scan3A_74 = arith.constant 0 : i32
    %scan3A_75 = arith.constant 32 : i32
    %scan3A_76 = arith.addi %scan3A_74, %scan3A_75 : i32
    %scan3A_77 = arith.constant 1 : i32
    scf.for %scan3A_79 = %scan3A_74 to %scan3A_76 step %scan3A_77  : i32 {
      %mul3A_80 = arith.constant 4 : i32
      %mul3A_81 = arith.muli %scan3A_79, %mul3A_80 : i32
      %add3A_82 = arith.constant 0 : i32
      %add3A_83 = arith.addi %mul3A_81, %add3A_82 : i32
      %dma_wait3A = arith.constant 0 : i32
      %dma_wait3A_84 = arith.constant 0 : i32
      %dma_wait3A_85 = arith.constant 0 : i32
      %dma_wait3A_86 = arith.constant 0 : i32
      %dma_wait3A_87 = tpu.memref_slice %arg6[%dma_wait3A_84, %dma_wait3A_85, %dma_wait3A_86] : memref<4x200x64xf32, #tpu.memory_space<vmem>> -> memref<1x104x64xf32, #tpu.memory_space<vmem>>
      %dma_wait3A_88 = tpu.memref_squeeze %dma_wait3A_87 : memref<1x104x64xf32, #tpu.memory_space<vmem>> -> memref<104x64xf32, #tpu.memory_space<vmem>>
      %dma_wait3A_89 = arith.constant 0 : i32
      %dma_wait3A_90 = tpu.memref_slice %arg5[%dma_wait3A, %dma_wait3A_89] : memref<128x200xi32, #tpu.memory_space<vmem>> -> memref<1x104xi32, #tpu.memory_space<vmem>>
      %dma_wait3A_91 = tpu.memref_squeeze %dma_wait3A_90 : memref<1x104xi32, #tpu.memory_space<vmem>> -> memref<104xi32, #tpu.memory_space<vmem>>
      %dma_wait3A_92 = arith.constant 0 : i32
      %dma_wait3A_93 = arith.constant 0 : i32
      %dma_wait3A_94 = tpu.memref_slice %arg3[%dma_wait3A_92, %dma_wait3A_93] : memref<200000x64xf32, #tpu.memory_space<hbm>> -> memref<200000x64xf32, #tpu.memory_space<hbm>>
      tpu.wait_indirect_dma semaphore(%arg8 : memref<!tpu.dma_semaphore, #tpu.memory_space<semaphore_mem>>) src(%dma_wait3A_94 : memref<200000x64xf32, #tpu.memory_space<hbm>>) dst(%dma_wait3A_88 : memref<104x64xf32, #tpu.memory_space<vmem>>)
      %dma_wait3A_95 = arith.constant 0 : i32
      %dma_wait3A_96 = arith.constant 0 : i32
      %dma_wait3A_97 = arith.constant 104 : i32
      %dma_wait3A_98 = arith.constant 0 : i32
      %dma_wait3A_99 = tpu.memref_slice %arg6[%dma_wait3A_96, %dma_wait3A_97, %dma_wait3A_98] : memref<4x200x64xf32, #tpu.memory_space<vmem>> -> memref<1x96x64xf32, #tpu.memory_space<vmem>>
      %dma_wait3A_100 = tpu.memref_squeeze %dma_wait3A_99 : memref<1x96x64xf32, #tpu.memory_space<vmem>> -> memref<96x64xf32, #tpu.memory_space<vmem>>
      %dma_wait3A_101 = arith.constant 104 : i32
      %dma_wait3A_102 = tpu.memref_slice %arg5[%dma_wait3A_95, %dma_wait3A_101] : memref<128x200xi32, #tpu.memory_space<vmem>> -> memref<1x96xi32, #tpu.memory_space<vmem>>
      %dma_wait3A_103 = tpu.memref_squeeze %dma_wait3A_102 : memref<1x96xi32, #tpu.memory_space<vmem>> -> memref<96xi32, #tpu.memory_space<vmem>>
      %dma_wait3A_104 = arith.constant 0 : i32
      %dma_wait3A_105 = arith.constant 0 : i32
      %dma_wait3A_106 = tpu.memref_slice %arg3[%dma_wait3A_104, %dma_wait3A_105] : memref<200000x64xf32, #tpu.memory_space<hbm>> -> memref<200000x64xf32, #tpu.memory_space<hbm>>
      tpu.wait_indirect_dma semaphore(%arg8 : memref<!tpu.dma_semaphore, #tpu.memory_space<semaphore_mem>>) src(%dma_wait3A_106 : memref<200000x64xf32, #tpu.memory_space<hbm>>) dst(%dma_wait3A_100 : memref<96x64xf32, #tpu.memory_space<vmem>>)
      %add3A_107 = arith.constant 3 : i32
      %add3A_108 = arith.addi %add3A_83, %add3A_107 : i32
      %lt3A = arith.constant 128 : i32
      %lt3A_109 = arith.cmpi slt, %add3A_108, %lt3A : i32
      %convert_element_type3A = arith.extui %lt3A_109 : i1 to i32
      %cond3A = arith.constant 0 : i32
      %cond3A_110 = arith.cmpi ne, %convert_element_type3A, %cond3A : i32
      scf.if %cond3A_110 {
        %dma_start3A_326 = arith.constant 3 : i32
        %dma_start3A_327 = arith.constant 0 : i32
        %dma_start3A_328 = arith.constant 0 : i32
        %dma_start3A_329 = tpu.memref_slice %arg6[%dma_start3A_326, %dma_start3A_327, %dma_start3A_328] : memref<4x200x64xf32, #tpu.memory_space<vmem>> -> memref<1x104x64xf32, #tpu.memory_space<vmem>>
        %dma_start3A_330 = tpu.memref_squeeze %dma_start3A_329 : memref<1x104x64xf32, #tpu.memory_space<vmem>> -> memref<104x64xf32, #tpu.memory_space<vmem>>
        %dma_start3A_331 = arith.constant 0 : i32
        %dma_start3A_332 = tpu.memref_slice %arg5[%add3A_108, %dma_start3A_331] : memref<128x200xi32, #tpu.memory_space<vmem>> -> memref<1x104xi32, #tpu.memory_space<vmem>>
        %dma_start3A_333 = tpu.memref_squeeze %dma_start3A_332 : memref<1x104xi32, #tpu.memory_space<vmem>> -> memref<104xi32, #tpu.memory_space<vmem>>
        %dma_start3A_334 = arith.constant 0 : i32
        %dma_start3A_335 = arith.constant 0 : i32
        %dma_start3A_336 = tpu.memref_slice %arg3[%dma_start3A_334, %dma_start3A_335] : memref<200000x64xf32, #tpu.memory_space<hbm>> -> memref<200000x64xf32, #tpu.memory_space<hbm>>
        tpu.enqueue_indirect_dma source(%dma_start3A_336 : memref<200000x64xf32, #tpu.memory_space<hbm>>) target(%dma_start3A_330 : memref<104x64xf32, #tpu.memory_space<vmem>>) offsets(%dma_start3A_333 : memref<104xi32, #tpu.memory_space<vmem>>) semaphore(%arg11 : memref<!tpu.dma_semaphore, #tpu.memory_space<semaphore_mem>>)
        %dma_start3A_337 = arith.constant 3 : i32
        %dma_start3A_338 = arith.constant 104 : i32
        %dma_start3A_339 = arith.constant 0 : i32
        %dma_start3A_340 = tpu.memref_slice %arg6[%dma_start3A_337, %dma_start3A_338, %dma_start3A_339] : memref<4x200x64xf32, #tpu.memory_space<vmem>> -> memref<1x96x64xf32, #tpu.memory_space<vmem>>
        %dma_start3A_341 = tpu.memref_squeeze %dma_start3A_340 : memref<1x96x64xf32, #tpu.memory_space<vmem>> -> memref<96x64xf32, #tpu.memory_space<vmem>>
        %dma_start3A_342 = arith.constant 104 : i32
        %dma_start3A_343 = tpu.memref_slice %arg5[%add3A_108, %dma_start3A_342] : memref<128x200xi32, #tpu.memory_space<vmem>> -> memref<1x96xi32, #tpu.memory_space<vmem>>
        %dma_start3A_344 = tpu.memref_squeeze %dma_start3A_343 : memref<1x96xi32, #tpu.memory_space<vmem>> -> memref<96xi32, #tpu.memory_space<vmem>>
        %dma_start3A_345 = arith.constant 0 : i32
        %dma_start3A_346 = arith.constant 0 : i32
        %dma_start3A_347 = tpu.memref_slice %arg3[%dma_start3A_345, %dma_start3A_346] : memref<200000x64xf32, #tpu.memory_space<hbm>> -> memref<200000x64xf32, #tpu.memory_space<hbm>>
        tpu.enqueue_indirect_dma source(%dma_start3A_347 : memref<200000x64xf32, #tpu.memory_space<hbm>>) target(%dma_start3A_341 : memref<96x64xf32, #tpu.memory_space<vmem>>) offsets(%dma_start3A_344 : memref<96xi32, #tpu.memory_space<vmem>>) semaphore(%arg11 : memref<!tpu.dma_semaphore, #tpu.memory_space<semaphore_mem>>)
      } else {
      }
      %broadcast_in_dim3A = arith.constant 0.000000e+00 : f32
      %broadcast_in_dim3A_111 = vector.broadcast %broadcast_in_dim3A : f32 to vector<16xf32>
      %scan3A_112 = arith.constant 0 : i32
      %scan3A_113 = arith.constant 25 : i32
      %scan3A_114 = arith.addi %scan3A_112, %scan3A_113 : i32
      %scan3A_115 = arith.constant 1 : i32
      %scan3A_116:4 = scf.for %scan3A_326 = %scan3A_112 to %scan3A_114 step %scan3A_115 iter_args(%scan3A_327 = %broadcast_in_dim3A_111, %scan3A_328 = %broadcast_in_dim3A_111, %scan3A_329 = %broadcast_in_dim3A_111, %scan3A_330 = %broadcast_in_dim3A_111) -> (vector<16xf32>, vector<16xf32>, vector<16xf32>, vector<16xf32>)  : i32 {
        %mul3A_331 = arith.constant 8 : i32
        %mul3A_332 = arith.muli %scan3A_326, %mul3A_331 : i32
        %add3A_333 = arith.constant 0 : i32
        %add3A_334 = arith.addi %mul3A_332, %add3A_333 : i32
        %get3A = arith.constant 0 : i32
        %get3A_335 = arith.index_cast %get3A : i32 to index
        %get3A_336 = arith.index_cast %add3A_334 : i32 to index
        %get3A_337 = arith.constant 0 : index
        %get3A_338 = tpu.vector_load %arg6[%get3A_335, %get3A_336, %get3A_337] {strides = array<i32>} : memref<4x200x64xf32, #tpu.memory_space<vmem>>, vector<1x1x16xf32>,
        %get3A_339 = vector.shape_cast %get3A_338 : vector<1x1x16xf32> to vector<16xf32>
        %add3A_340 = arith.addf %scan3A_327, %get3A_339 : vector<16xf32>
        %get3A_341 = arith.constant 0 : i32
        %get3A_342 = arith.index_cast %get3A_341 : i32 to index
        %get3A_343 = arith.index_cast %add3A_334 : i32 to index
        %get3A_344 = arith.constant 16 : index
        %get3A_345 = tpu.vector_load %arg6[%get3A_342, %get3A_343, %get3A_344] {strides = array<i32>} : memref<4x200x64xf32, #tpu.memory_space<vmem>>, vector<1x1x16xf32>,
        %get3A_346 = vector.shape_cast %get3A_345 : vector<1x1x16xf32> to vector<16xf32>
        %add3A_347 = arith.addf %scan3A_328, %get3A_346 : vector<16xf32>
        %get3A_348 = arith.constant 0 : i32
        %get3A_349 = arith.index_cast %get3A_348 : i32 to index
        %get3A_350 = arith.index_cast %add3A_334 : i32 to index
        %get3A_351 = arith.constant 32 : index
        %get3A_352 = tpu.vector_load %arg6[%get3A_349, %get3A_350, %get3A_351] {strides = array<i32>} : memref<4x200x64xf32, #tpu.memory_space<vmem>>, vector<1x1x16xf32>,
        %get3A_353 = vector.shape_cast %get3A_352 : vector<1x1x16xf32> to vector<16xf32>
        %add3A_354 = arith.addf %scan3A_329, %get3A_353 : vector<16xf32>
        %get3A_355 = arith.constant 0 : i32
        %get3A_356 = arith.index_cast %get3A_355 : i32 to index
        %get3A_357 = arith.index_cast %add3A_334 : i32 to index
        %get3A_358 = arith.constant 48 : index
        %get3A_359 = tpu.vector_load %arg6[%get3A_356, %get3A_357, %get3A_358] {strides = array<i32>} : memref<4x200x64xf32, #tpu.memory_space<vmem>>, vector<1x1x16xf32>,
        %get3A_360 = vector.shape_cast %get3A_359 : vector<1x1x16xf32> to vector<16xf32>
        %add3A_361 = arith.addf %scan3A_330, %get3A_360 : vector<16xf32>
        %add3A_362 = arith.constant 1 : i32
        %add3A_363 = arith.addi %mul3A_332, %add3A_362 : i32
        %get3A_364 = arith.constant 0 : i32
        %get3A_365 = arith.index_cast %get3A_364 : i32 to index
        %get3A_366 = arith.index_cast %add3A_363 : i32 to index
        %get3A_367 = arith.constant 0 : index
        %get3A_368 = tpu.vector_load %arg6[%get3A_365, %get3A_366, %get3A_367] {strides = array<i32>} : memref<4x200x64xf32, #tpu.memory_space<vmem>>, vector<1x1x16xf32>,
        %get3A_369 = vector.shape_cast %get3A_368 : vector<1x1x16xf32> to vector<16xf32>
        %add3A_370 = arith.addf %add3A_340, %get3A_369 : vector<16xf32>
        %get3A_371 = arith.constant 0 : i32
        %get3A_372 = arith.index_cast %get3A_371 : i32 to index
        %get3A_373 = arith.index_cast %add3A_363 : i32 to index
        %get3A_374 = arith.constant 16 : index
        %get3A_375 = tpu.vector_load %arg6[%get3A_372, %get3A_373, %get3A_374] {strides = array<i32>} : memref<4x200x64xf32, #tpu.memory_space<vmem>>, vector<1x1x16xf32>,
        %get3A_376 = vector.shape_cast %get3A_375 : vector<1x1x16xf32> to vector<16xf32>
        %add3A_377 = arith.addf %add3A_347, %get3A_376 : vector<16xf32>
        %get3A_378 = arith.constant 0 : i32
        %get3A_379 = arith.index_cast %get3A_378 : i32 to index
        %get3A_380 = arith.index_cast %add3A_363 : i32 to index
        %get3A_381 = arith.constant 32 : index
        %get3A_382 = tpu.vector_load %arg6[%get3A_379, %get3A_380, %get3A_381] {strides = array<i32>} : memref<4x200x64xf32, #tpu.memory_space<vmem>>, vector<1x1x16xf32>,
        %get3A_383 = vector.shape_cast %get3A_382 : vector<1x1x16xf32> to vector<16xf32>
        %add3A_384 = arith.addf %add3A_354, %get3A_383 : vector<16xf32>
        %get3A_385 = arith.constant 0 : i32
        %get3A_386 = arith.index_cast %get3A_385 : i32 to index
        %get3A_387 = arith.index_cast %add3A_363 : i32 to index
        %get3A_388 = arith.constant 48 : index
        %get3A_389 = tpu.vector_load %arg6[%get3A_386, %get3A_387, %get3A_388] {strides = array<i32>} : memref<4x200x64xf32, #tpu.memory_space<vmem>>, vector<1x1x16xf32>,
        %get3A_390 = vector.shape_cast %get3A_389 : vector<1x1x16xf32> to vector<16xf32>
        %add3A_391 = arith.addf %add3A_361, %get3A_390 : vector<16xf32>
        %add3A_392 = arith.constant 2 : i32
        %add3A_393 = arith.addi %mul3A_332, %add3A_392 : i32
        %get3A_394 = arith.constant 0 : i32
        %get3A_395 = arith.index_cast %get3A_394 : i32 to index
        %get3A_396 = arith.index_cast %add3A_393 : i32 to index
        %get3A_397 = arith.constant 0 : index
        %get3A_398 = tpu.vector_load %arg6[%get3A_395, %get3A_396, %get3A_397] {strides = array<i32>} : memref<4x200x64xf32, #tpu.memory_space<vmem>>, vector<1x1x16xf32>,
        %get3A_399 = vector.shape_cast %get3A_398 : vector<1x1x16xf32> to vector<16xf32>
        %add3A_400 = arith.addf %add3A_370, %get3A_399 : vector<16xf32>
        %get3A_401 = arith.constant 0 : i32
        %get3A_402 = arith.index_cast %get3A_401 : i32 to index
        %get3A_403 = arith.index_cast %add3A_393 : i32 to index
        %get3A_404 = arith.constant 16 : index
        %get3A_405 = tpu.vector_load %arg6[%get3A_402, %get3A_403, %get3A_404] {strides = array<i32>} : memref<4x200x64xf32, #tpu.memory_space<vmem>>, vector<1x1x16xf32>,
        %get3A_406 = vector.shape_cast %get3A_405 : vector<1x1x16xf32> to vector<16xf32>
        %add3A_407 = arith.addf %add3A_377, %get3A_406 : vector<16xf32>
        %get3A_408 = arith.constant 0 : i32
        %get3A_409 = arith.index_cast %get3A_408 : i32 to index
        %get3A_410 = arith.index_cast %add3A_393 : i32 to index
        %get3A_411 = arith.constant 32 : index
        %get3A_412 = tpu.vector_load %arg6[%get3A_409, %get3A_410, %get3A_411] {strides = array<i32>} : memref<4x200x64xf32, #tpu.memory_space<vmem>>, vector<1x1x16xf32>,
        %get3A_413 = vector.shape_cast %get3A_412 : vector<1x1x16xf32> to vector<16xf32>
        %add3A_414 = arith.addf %add3A_384, %get3A_413 : vector<16xf32>
        %get3A_415 = arith.constant 0 : i32
        %get3A_416 = arith.index_cast %get3A_415 : i32 to index
        %get3A_417 = arith.index_cast %add3A_393 : i32 to index
        %get3A_418 = arith.constant 48 : index
        %get3A_419 = tpu.vector_load %arg6[%get3A_416, %get3A_417, %get3A_418] {strides = array<i32>} : memref<4x200x64xf32, #tpu.memory_space<vmem>>, vector<1x1x16xf32>,
        %get3A_420 = vector.shape_cast %get3A_419 : vector<1x1x16xf32> to vector<16xf32>
        %add3A_421 = arith.addf %add3A_391, %get3A_420 : vector<16xf32>
        %add3A_422 = arith.constant 3 : i32
        %add3A_423 = arith.addi %mul3A_332, %add3A_422 : i32
        %get3A_424 = arith.constant 0 : i32
        %get3A_425 = arith.index_cast %get3A_424 : i32 to index
        %get3A_426 = arith.index_cast %add3A_423 : i32 to index
        %get3A_427 = arith.constant 0 : index
        %get3A_428 = tpu.vector_load %arg6[%get3A_425, %get3A_426, %get3A_427] {strides = array<i32>} : memref<4x200x64xf32, #tpu.memory_space<vmem>>, vector<1x1x16xf32>,
        %get3A_429 = vector.shape_cast %get3A_428 : vector<1x1x16xf32> to vector<16xf32>
        %add3A_430 = arith.addf %add3A_400, %get3A_429 : vector<16xf32>
        %get3A_431 = arith.constant 0 : i32
        %get3A_432 = arith.index_cast %get3A_431 : i32 to index
        %get3A_433 = arith.index_cast %add3A_423 : i32 to index
        %get3A_434 = arith.constant 16 : index
        %get3A_435 = tpu.vector_load %arg6[%get3A_432, %get3A_433, %get3A_434] {strides = array<i32>} : memref<4x200x64xf32, #tpu.memory_space<vmem>>, vector<1x1x16xf32>,
        %get3A_436 = vector.shape_cast %get3A_435 : vector<1x1x16xf32> to vector<16xf32>
        %add3A_437 = arith.addf %add3A_407, %get3A_436 : vector<16xf32>
        %get3A_438 = arith.constant 0 : i32
        %get3A_439 = arith.index_cast %get3A_438 : i32 to index
        %get3A_440 = arith.index_cast %add3A_423 : i32 to index
        %get3A_441 = arith.constant 32 : index
        %get3A_442 = tpu.vector_load %arg6[%get3A_439, %get3A_440, %get3A_441] {strides = array<i32>} : memref<4x200x64xf32, #tpu.memory_space<vmem>>, vector<1x1x16xf32>,
        %get3A_443 = vector.shape_cast %get3A_442 : vector<1x1x16xf32> to vector<16xf32>
        %add3A_444 = arith.addf %add3A_414, %get3A_443 : vector<16xf32>
        %get3A_445 = arith.constant 0 : i32
        %get3A_446 = arith.index_cast %get3A_445 : i32 to index
        %get3A_447 = arith.index_cast %add3A_423 : i32 to index
        %get3A_448 = arith.constant 48 : index
        %get3A_449 = tpu.vector_load %arg6[%get3A_446, %get3A_447, %get3A_448] {strides = array<i32>} : memref<4x200x64xf32, #tpu.memory_space<vmem>>, vector<1x1x16xf32>,
        %get3A_450 = vector.shape_cast %get3A_449 : vector<1x1x16xf32> to vector<16xf32>
        %add3A_451 = arith.addf %add3A_421, %get3A_450 : vector<16xf32>
        %add3A_452 = arith.constant 4 : i32
        %add3A_453 = arith.addi %mul3A_332, %add3A_452 : i32
        %get3A_454 = arith.constant 0 : i32
        %get3A_455 = arith.index_cast %get3A_454 : i32 to index
        %get3A_456 = arith.index_cast %add3A_453 : i32 to index
        %get3A_457 = arith.constant 0 : index
        %get3A_458 = tpu.vector_load %arg6[%get3A_455, %get3A_456, %get3A_457] {strides = array<i32>} : memref<4x200x64xf32, #tpu.memory_space<vmem>>, vector<1x1x16xf32>,
        %get3A_459 = vector.shape_cast %get3A_458 : vector<1x1x16xf32> to vector<16xf32>
        %add3A_460 = arith.addf %add3A_430, %get3A_459 : vector<16xf32>
        %get3A_461 = arith.constant 0 : i32
        %get3A_462 = arith.index_cast %get3A_461 : i32 to index
        %get3A_463 = arith.index_cast %add3A_453 : i32 to index
        %get3A_464 = arith.constant 16 : index
        %get3A_465 = tpu.vector_load %arg6[%get3A_462, %get3A_463, %get3A_464] {strides = array<i32>} : memref<4x200x64xf32, #tpu.memory_space<vmem>>, vector<1x1x16xf32>,
        %get3A_466 = vector.shape_cast %get3A_465 : vector<1x1x16xf32> to vector<16xf32>
        %add3A_467 = arith.addf %add3A_437, %get3A_466 : vector<16xf32>
        %get3A_468 = arith.constant 0 : i32
        %get3A_469 = arith.index_cast %get3A_468 : i32 to index
        %get3A_470 = arith.index_cast %add3A_453 : i32 to index
        %get3A_471 = arith.constant 32 : index
        %get3A_472 = tpu.vector_load %arg6[%get3A_469, %get3A_470, %get3A_471] {strides = array<i32>} : memref<4x200x64xf32, #tpu.memory_space<vmem>>, vector<1x1x16xf32>,
        %get3A_473 = vector.shape_cast %get3A_472 : vector<1x1x16xf32> to vector<16xf32>
        %add3A_474 = arith.addf %add3A_444, %get3A_473 : vector<16xf32>
        %get3A_475 = arith.constant 0 : i32
        %get3A_476 = arith.index_cast %get3A_475 : i32 to index
        %get3A_477 = arith.index_cast %add3A_453 : i32 to index
        %get3A_478 = arith.constant 48 : index
        %get3A_479 = tpu.vector_load %arg6[%get3A_476, %get3A_477, %get3A_478] {strides = array<i32>} : memref<4x200x64xf32, #tpu.memory_space<vmem>>, vector<1x1x16xf32>,
        %get3A_480 = vector.shape_cast %get3A_479 : vector<1x1x16xf32> to vector<16xf32>
        %add3A_481 = arith.addf %add3A_451, %get3A_480 : vector<16xf32>
        %add3A_482 = arith.constant 5 : i32
        %add3A_483 = arith.addi %mul3A_332, %add3A_482 : i32
        %get3A_484 = arith.constant 0 : i32
        %get3A_485 = arith.index_cast %get3A_484 : i32 to index
        %get3A_486 = arith.index_cast %add3A_483 : i32 to index
        %get3A_487 = arith.constant 0 : index
        %get3A_488 = tpu.vector_load %arg6[%get3A_485, %get3A_486, %get3A_487] {strides = array<i32>} : memref<4x200x64xf32, #tpu.memory_space<vmem>>, vector<1x1x16xf32>,
        %get3A_489 = vector.shape_cast %get3A_488 : vector<1x1x16xf32> to vector<16xf32>
        %add3A_490 = arith.addf %add3A_460, %get3A_489 : vector<16xf32>
        %get3A_491 = arith.constant 0 : i32
        %get3A_492 = arith.index_cast %get3A_491 : i32 to index
        %get3A_493 = arith.index_cast %add3A_483 : i32 to index
        %get3A_494 = arith.constant 16 : index
        %get3A_495 = tpu.vector_load %arg6[%get3A_492, %get3A_493, %get3A_494] {strides = array<i32>} : memref<4x200x64xf32, #tpu.memory_space<vmem>>, vector<1x1x16xf32>,
        %get3A_496 = vector.shape_cast %get3A_495 : vector<1x1x16xf32> to vector<16xf32>
        %add3A_497 = arith.addf %add3A_467, %get3A_496 : vector<16xf32>
        %get3A_498 = arith.constant 0 : i32
        %get3A_499 = arith.index_cast %get3A_498 : i32 to index
        %get3A_500 = arith.index_cast %add3A_483 : i32 to index
        %get3A_501 = arith.constant 32 : index
        %get3A_502 = tpu.vector_load %arg6[%get3A_499, %get3A_500, %get3A_501] {strides = array<i32>} : memref<4x200x64xf32, #tpu.memory_space<vmem>>, vector<1x1x16xf32>,
        %get3A_503 = vector.shape_cast %get3A_502 : vector<1x1x16xf32> to vector<16xf32>
        %add3A_504 = arith.addf %add3A_474, %get3A_503 : vector<16xf32>
        %get3A_505 = arith.constant 0 : i32
        %get3A_506 = arith.index_cast %get3A_505 : i32 to index
        %get3A_507 = arith.index_cast %add3A_483 : i32 to index
        %get3A_508 = arith.constant 48 : index
        %get3A_509 = tpu.vector_load %arg6[%get3A_506, %get3A_507, %get3A_508] {strides = array<i32>} : memref<4x200x64xf32, #tpu.memory_space<vmem>>, vector<1x1x16xf32>,
        %get3A_510 = vector.shape_cast %get3A_509 : vector<1x1x16xf32> to vector<16xf32>
        %add3A_511 = arith.addf %add3A_481, %get3A_510 : vector<16xf32>
        %add3A_512 = arith.constant 6 : i32
        %add3A_513 = arith.addi %mul3A_332, %add3A_512 : i32
        %get3A_514 = arith.constant 0 : i32
        %get3A_515 = arith.index_cast %get3A_514 : i32 to index
        %get3A_516 = arith.index_cast %add3A_513 : i32 to index
        %get3A_517 = arith.constant 0 : index
        %get3A_518 = tpu.vector_load %arg6[%get3A_515, %get3A_516, %get3A_517] {strides = array<i32>} : memref<4x200x64xf32, #tpu.memory_space<vmem>>, vector<1x1x16xf32>,
        %get3A_519 = vector.shape_cast %get3A_518 : vector<1x1x16xf32> to vector<16xf32>
        %add3A_520 = arith.addf %add3A_490, %get3A_519 : vector<16xf32>
        %get3A_521 = arith.constant 0 : i32
        %get3A_522 = arith.index_cast %get3A_521 : i32 to index
        %get3A_523 = arith.index_cast %add3A_513 : i32 to index
        %get3A_524 = arith.constant 16 : index
        %get3A_525 = tpu.vector_load %arg6[%get3A_522, %get3A_523, %get3A_524] {strides = array<i32>} : memref<4x200x64xf32, #tpu.memory_space<vmem>>, vector<1x1x16xf32>,
        %get3A_526 = vector.shape_cast %get3A_525 : vector<1x1x16xf32> to vector<16xf32>
        %add3A_527 = arith.addf %add3A_497, %get3A_526 : vector<16xf32>
        %get3A_528 = arith.constant 0 : i32
        %get3A_529 = arith.index_cast %get3A_528 : i32 to index
        %get3A_530 = arith.index_cast %add3A_513 : i32 to index
        %get3A_531 = arith.constant 32 : index
        %get3A_532 = tpu.vector_load %arg6[%get3A_529, %get3A_530, %get3A_531] {strides = array<i32>} : memref<4x200x64xf32, #tpu.memory_space<vmem>>, vector<1x1x16xf32>,
        %get3A_533 = vector.shape_cast %get3A_532 : vector<1x1x16xf32> to vector<16xf32>
        %add3A_534 = arith.addf %add3A_504, %get3A_533 : vector<16xf32>
        %get3A_535 = arith.constant 0 : i32
        %get3A_536 = arith.index_cast %get3A_535 : i32 to index
        %get3A_537 = arith.index_cast %add3A_513 : i32 to index
        %get3A_538 = arith.constant 48 : index
        %get3A_539 = tpu.vector_load %arg6[%get3A_536, %get3A_537, %get3A_538] {strides = array<i32>} : memref<4x200x64xf32, #tpu.memory_space<vmem>>, vector<1x1x16xf32>,
        %get3A_540 = vector.shape_cast %get3A_539 : vector<1x1x16xf32> to vector<16xf32>
        %add3A_541 = arith.addf %add3A_511, %get3A_540 : vector<16xf32>
        %add3A_542 = arith.constant 7 : i32
        %add3A_543 = arith.addi %mul3A_332, %add3A_542 : i32
        %get3A_544 = arith.constant 0 : i32
        %get3A_545 = arith.index_cast %get3A_544 : i32 to index
        %get3A_546 = arith.index_cast %add3A_543 : i32 to index
        %get3A_547 = arith.constant 0 : index
        %get3A_548 = tpu.vector_load %arg6[%get3A_545, %get3A_546, %get3A_547] {strides = array<i32>} : memref<4x200x64xf32, #tpu.memory_space<vmem>>, vector<1x1x16xf32>,
        %get3A_549 = vector.shape_cast %get3A_548 : vector<1x1x16xf32> to vector<16xf32>
        %add3A_550 = arith.addf %add3A_520, %get3A_549 : vector<16xf32>
        %get3A_551 = arith.constant 0 : i32
        %get3A_552 = arith.index_cast %get3A_551 : i32 to index
        %get3A_553 = arith.index_cast %add3A_543 : i32 to index
        %get3A_554 = arith.constant 16 : index
        %get3A_555 = tpu.vector_load %arg6[%get3A_552, %get3A_553, %get3A_554] {strides = array<i32>} : memref<4x200x64xf32, #tpu.memory_space<vmem>>, vector<1x1x16xf32>,
        %get3A_556 = vector.shape_cast %get3A_555 : vector<1x1x16xf32> to vector<16xf32>
        %add3A_557 = arith.addf %add3A_527, %get3A_556 : vector<16xf32>
        %get3A_558 = arith.constant 0 : i32
        %get3A_559 = arith.index_cast %get3A_558 : i32 to index
        %get3A_560 = arith.index_cast %add3A_543 : i32 to index
        %get3A_561 = arith.constant 32 : index
        %get3A_562 = tpu.vector_load %arg6[%get3A_559, %get3A_560, %get3A_561] {strides = array<i32>} : memref<4x200x64xf32, #tpu.memory_space<vmem>>, vector<1x1x16xf32>,
        %get3A_563 = vector.shape_cast %get3A_562 : vector<1x1x16xf32> to vector<16xf32>
        %add3A_564 = arith.addf %add3A_534, %get3A_563 : vector<16xf32>
        %get3A_565 = arith.constant 0 : i32
        %get3A_566 = arith.index_cast %get3A_565 : i32 to index
        %get3A_567 = arith.index_cast %add3A_543 : i32 to index
        %get3A_568 = arith.constant 48 : index
        %get3A_569 = tpu.vector_load %arg6[%get3A_566, %get3A_567, %get3A_568] {strides = array<i32>} : memref<4x200x64xf32, #tpu.memory_space<vmem>>, vector<1x1x16xf32>,
        %get3A_570 = vector.shape_cast %get3A_569 : vector<1x1x16xf32> to vector<16xf32>
        %add3A_571 = arith.addf %add3A_541, %get3A_570 : vector<16xf32>
        scf.yield %add3A_550, %add3A_557, %add3A_564, %add3A_571 : vector<16xf32>, vector<16xf32>, vector<16xf32>, vector<16xf32>
      }
      %scan3A_117 = arith.constant 25 : i32
      %swap3A = arith.index_cast %add3A_83 : i32 to index
      %swap3A_118 = arith.constant 0 : index
      %swap3A_119 = tpu.vector_load %arg7[%swap3A, %swap3A_118] {strides = array<i32>} : memref<128x64xf32, #tpu.memory_space<vmem>>, vector<1x16xf32>,
      %swap3A_120 = vector.shape_cast %swap3A_119 : vector<1x16xf32> to vector<16xf32>
      %swap3A_121 = vector.shape_cast %scan3A_116#0 : vector<16xf32> to vector<1x16xf32>
      tpu.vector_store %arg7[%swap3A, %swap3A_118], %swap3A_121 {strides = array<i32>} : memref<128x64xf32, #tpu.memory_space<vmem>>, vector<1x16xf32>,
      %swap3A_122 = arith.index_cast %add3A_83 : i32 to index
      %swap3A_123 = arith.constant 16 : index
      %swap3A_124 = tpu.vector_load %arg7[%swap3A_122, %swap3A_123] {strides = array<i32>} : memref<128x64xf32, #tpu.memory_space<vmem>>, vector<1x16xf32>,
      %swap3A_125 = vector.shape_cast %swap3A_124 : vector<1x16xf32> to vector<16xf32>
      %swap3A_126 = vector.shape_cast %scan3A_116#1 : vector<16xf32> to vector<1x16xf32>
      tpu.vector_store %arg7[%swap3A_122, %swap3A_123], %swap3A_126 {strides = array<i32>} : memref<128x64xf32, #tpu.memory_space<vmem>>, vector<1x16xf32>,
      %swap3A_127 = arith.index_cast %add3A_83 : i32 to index
      %swap3A_128 = arith.constant 32 : index
      %swap3A_129 = tpu.vector_load %arg7[%swap3A_127, %swap3A_128] {strides = array<i32>} : memref<128x64xf32, #tpu.memory_space<vmem>>, vector<1x16xf32>,
      %swap3A_130 = vector.shape_cast %swap3A_129 : vector<1x16xf32> to vector<16xf32>
      %swap3A_131 = vector.shape_cast %scan3A_116#2 : vector<16xf32> to vector<1x16xf32>
      tpu.vector_store %arg7[%swap3A_127, %swap3A_128], %swap3A_131 {strides = array<i32>} : memref<128x64xf32, #tpu.memory_space<vmem>>, vector<1x16xf32>,
      %swap3A_132 = arith.index_cast %add3A_83 : i32 to index
      %swap3A_133 = arith.constant 48 : index
      %swap3A_134 = tpu.vector_load %arg7[%swap3A_132, %swap3A_133] {strides = array<i32>} : memref<128x64xf32, #tpu.memory_space<vmem>>, vector<1x16xf32>,
      %swap3A_135 = vector.shape_cast %swap3A_134 : vector<1x16xf32> to vector<16xf32>
      %swap3A_136 = vector.shape_cast %scan3A_116#3 : vector<16xf32> to vector<1x16xf32>
      tpu.vector_store %arg7[%swap3A_132, %swap3A_133], %swap3A_136 {strides = array<i32>} : memref<128x64xf32, #tpu.memory_space<vmem>>, vector<1x16xf32>,
      %mul3A_137 = arith.constant 4 : i32
      %mul3A_138 = arith.muli %scan3A_79, %mul3A_137 : i32
      %add3A_139 = arith.constant 1 : i32
      %add3A_140 = arith.addi %mul3A_138, %add3A_139 : i32
      %dma_wait3A_141 = arith.constant 0 : i32
      %dma_wait3A_142 = arith.constant 1 : i32
      %dma_wait3A_143 = arith.constant 0 : i32
      %dma_wait3A_144 = arith.constant 0 : i32
      %dma_wait3A_145 = tpu.memref_slice %arg6[%dma_wait3A_142, %dma_wait3A_143, %dma_wait3A_144] : memref<4x200x64xf32, #tpu.memory_space<vmem>> -> memref<1x104x64xf32, #tpu.memory_space<vmem>>
      %dma_wait3A_146 = tpu.memref_squeeze %dma_wait3A_145 : memref<1x104x64xf32, #tpu.memory_space<vmem>> -> memref<104x64xf32, #tpu.memory_space<vmem>>
      %dma_wait3A_147 = arith.constant 0 : i32
      %dma_wait3A_148 = tpu.memref_slice %arg5[%dma_wait3A_141, %dma_wait3A_147] : memref<128x200xi32, #tpu.memory_space<vmem>> -> memref<1x104xi32, #tpu.memory_space<vmem>>
      %dma_wait3A_149 = tpu.memref_squeeze %dma_wait3A_148 : memref<1x104xi32, #tpu.memory_space<vmem>> -> memref<104xi32, #tpu.memory_space<vmem>>
      %dma_wait3A_150 = arith.constant 0 : i32
      %dma_wait3A_151 = arith.constant 0 : i32
      %dma_wait3A_152 = tpu.memref_slice %arg3[%dma_wait3A_150, %dma_wait3A_151] : memref<200000x64xf32, #tpu.memory_space<hbm>> -> memref<200000x64xf32, #tpu.memory_space<hbm>>
      tpu.wait_indirect_dma semaphore(%arg9 : memref<!tpu.dma_semaphore, #tpu.memory_space<semaphore_mem>>) src(%dma_wait3A_152 : memref<200000x64xf32, #tpu.memory_space<hbm>>) dst(%dma_wait3A_146 : memref<104x64xf32, #tpu.memory_space<vmem>>)
      %dma_wait3A_153 = arith.constant 0 : i32
      %dma_wait3A_154 = arith.constant 1 : i32
      %dma_wait3A_155 = arith.constant 104 : i32
      %dma_wait3A_156 = arith.constant 0 : i32
      %dma_wait3A_157 = tpu.memref_slice %arg6[%dma_wait3A_154, %dma_wait3A_155, %dma_wait3A_156] : memref<4x200x64xf32, #tpu.memory_space<vmem>> -> memref<1x96x64xf32, #tpu.memory_space<vmem>>
      %dma_wait3A_158 = tpu.memref_squeeze %dma_wait3A_157 : memref<1x96x64xf32, #tpu.memory_space<vmem>> -> memref<96x64xf32, #tpu.memory_space<vmem>>
      %dma_wait3A_159 = arith.constant 104 : i32
      %dma_wait3A_160 = tpu.memref_slice %arg5[%dma_wait3A_153, %dma_wait3A_159] : memref<128x200xi32, #tpu.memory_space<vmem>> -> memref<1x96xi32, #tpu.memory_space<vmem>>
      %dma_wait3A_161 = tpu.memref_squeeze %dma_wait3A_160 : memref<1x96xi32, #tpu.memory_space<vmem>> -> memref<96xi32, #tpu.memory_space<vmem>>
      %dma_wait3A_162 = arith.constant 0 : i32
      %dma_wait3A_163 = arith.constant 0 : i32
      %dma_wait3A_164 = tpu.memref_slice %arg3[%dma_wait3A_162, %dma_wait3A_163] : memref<200000x64xf32, #tpu.memory_space<hbm>> -> memref<200000x64xf32, #tpu.memory_space<hbm>>
      tpu.wait_indirect_dma semaphore(%arg9 : memref<!tpu.dma_semaphore, #tpu.memory_space<semaphore_mem>>) src(%dma_wait3A_164 : memref<200000x64xf32, #tpu.memory_space<hbm>>) dst(%dma_wait3A_158 : memref<96x64xf32, #tpu.memory_space<vmem>>)
      %add3A_165 = arith.constant 3 : i32
      %add3A_166 = arith.addi %add3A_140, %add3A_165 : i32
      %lt3A_167 = arith.constant 128 : i32
      %lt3A_168 = arith.cmpi slt, %add3A_166, %lt3A_167 : i32
      %convert_element_type3A_169 = arith.extui %lt3A_168 : i1 to i32
      %cond3A_170 = arith.constant 0 : i32
      %cond3A_171 = arith.cmpi ne, %convert_element_type3A_169, %cond3A_170 : i32
      scf.if %cond3A_171 {
        %dma_start3A_326 = arith.constant 0 : i32
        %dma_start3A_327 = arith.constant 0 : i32
        %dma_start3A_328 = arith.constant 0 : i32
        %dma_start3A_329 = tpu.memref_slice %arg6[%dma_start3A_326, %dma_start3A_327, %dma_start3A_328] : memref<4x200x64xf32, #tpu.memory_space<vmem>> -> memref<1x104x64xf32, #tpu.memory_space<vmem>>
        %dma_start3A_330 = tpu.memref_squeeze %dma_start3A_329 : memref<1x104x64xf32, #tpu.memory_space<vmem>> -> memref<104x64xf32, #tpu.memory_space<vmem>>
        %dma_start3A_331 = arith.constant 0 : i32
        %dma_start3A_332 = tpu.memref_slice %arg5[%add3A_166, %dma_start3A_331] : memref<128x200xi32, #tpu.memory_space<vmem>> -> memref<1x104xi32, #tpu.memory_space<vmem>>
        %dma_start3A_333 = tpu.memref_squeeze %dma_start3A_332 : memref<1x104xi32, #tpu.memory_space<vmem>> -> memref<104xi32, #tpu.memory_space<vmem>>
        %dma_start3A_334 = arith.constant 0 : i32
        %dma_start3A_335 = arith.constant 0 : i32
        %dma_start3A_336 = tpu.memref_slice %arg3[%dma_start3A_334, %dma_start3A_335] : memref<200000x64xf32, #tpu.memory_space<hbm>> -> memref<200000x64xf32, #tpu.memory_space<hbm>>
        tpu.enqueue_indirect_dma source(%dma_start3A_336 : memref<200000x64xf32, #tpu.memory_space<hbm>>) target(%dma_start3A_330 : memref<104x64xf32, #tpu.memory_space<vmem>>) offsets(%dma_start3A_333 : memref<104xi32, #tpu.memory_space<vmem>>) semaphore(%arg8 : memref<!tpu.dma_semaphore, #tpu.memory_space<semaphore_mem>>)
        %dma_start3A_337 = arith.constant 0 : i32
        %dma_start3A_338 = arith.constant 104 : i32
        %dma_start3A_339 = arith.constant 0 : i32
        %dma_start3A_340 = tpu.memref_slice %arg6[%dma_start3A_337, %dma_start3A_338, %dma_start3A_339] : memref<4x200x64xf32, #tpu.memory_space<vmem>> -> memref<1x96x64xf32, #tpu.memory_space<vmem>>
        %dma_start3A_341 = tpu.memref_squeeze %dma_start3A_340 : memref<1x96x64xf32, #tpu.memory_space<vmem>> -> memref<96x64xf32, #tpu.memory_space<vmem>>
        %dma_start3A_342 = arith.constant 104 : i32
        %dma_start3A_343 = tpu.memref_slice %arg5[%add3A_166, %dma_start3A_342] : memref<128x200xi32, #tpu.memory_space<vmem>> -> memref<1x96xi32, #tpu.memory_space<vmem>>
        %dma_start3A_344 = tpu.memref_squeeze %dma_start3A_343 : memref<1x96xi32, #tpu.memory_space<vmem>> -> memref<96xi32, #tpu.memory_space<vmem>>
        %dma_start3A_345 = arith.constant 0 : i32
        %dma_start3A_346 = arith.constant 0 : i32
        %dma_start3A_347 = tpu.memref_slice %arg3[%dma_start3A_345, %dma_start3A_346] : memref<200000x64xf32, #tpu.memory_space<hbm>> -> memref<200000x64xf32, #tpu.memory_space<hbm>>
        tpu.enqueue_indirect_dma source(%dma_start3A_347 : memref<200000x64xf32, #tpu.memory_space<hbm>>) target(%dma_start3A_341 : memref<96x64xf32, #tpu.memory_space<vmem>>) offsets(%dma_start3A_344 : memref<96xi32, #tpu.memory_space<vmem>>) semaphore(%arg8 : memref<!tpu.dma_semaphore, #tpu.memory_space<semaphore_mem>>)
      } else {
      }
      %broadcast_in_dim3A_172 = arith.constant 0.000000e+00 : f32
      %broadcast_in_dim3A_173 = vector.broadcast %broadcast_in_dim3A_172 : f32 to vector<16xf32>
      %scan3A_174 = arith.constant 0 : i32
      %scan3A_175 = arith.constant 25 : i32
      %scan3A_176 = arith.addi %scan3A_174, %scan3A_175 : i32
      %scan3A_177 = arith.constant 1 : i32
      %scan3A_178:4 = scf.for %scan3A_326 = %scan3A_174 to %scan3A_176 step %scan3A_177 iter_args(%scan3A_327 = %broadcast_in_dim3A_173, %scan3A_328 = %broadcast_in_dim3A_173, %scan3A_329 = %broadcast_in_dim3A_173, %scan3A_330 = %broadcast_in_dim3A_173) -> (vector<16xf32>, vector<16xf32>, vector<16xf32>, vector<16xf32>)  : i32 {
        %mul3A_331 = arith.constant 8 : i32
        %mul3A_332 = arith.muli %scan3A_326, %mul3A_331 : i32
        %add3A_333 = arith.constant 0 : i32
        %add3A_334 = arith.addi %mul3A_332, %add3A_333 : i32
        %get3A = arith.constant 1 : i32
        %get3A_335 = arith.index_cast %get3A : i32 to index
        %get3A_336 = arith.index_cast %add3A_334 : i32 to index
        %get3A_337 = arith.constant 0 : index
        %get3A_338 = tpu.vector_load %arg6[%get3A_335, %get3A_336, %get3A_337] {strides = array<i32>} : memref<4x200x64xf32, #tpu.memory_space<vmem>>, vector<1x1x16xf32>,
        %get3A_339 = vector.shape_cast %get3A_338 : vector<1x1x16xf32> to vector<16xf32>
        %add3A_340 = arith.addf %scan3A_327, %get3A_339 : vector<16xf32>
        %get3A_341 = arith.constant 1 : i32
        %get3A_342 = arith.index_cast %get3A_341 : i32 to index
        %get3A_343 = arith.index_cast %add3A_334 : i32 to index
        %get3A_344 = arith.constant 16 : index
        %get3A_345 = tpu.vector_load %arg6[%get3A_342, %get3A_343, %get3A_344] {strides = array<i32>} : memref<4x200x64xf32, #tpu.memory_space<vmem>>, vector<1x1x16xf32>,
        %get3A_346 = vector.shape_cast %get3A_345 : vector<1x1x16xf32> to vector<16xf32>
        %add3A_347 = arith.addf %scan3A_328, %get3A_346 : vector<16xf32>
        %get3A_348 = arith.constant 1 : i32
        %get3A_349 = arith.index_cast %get3A_348 : i32 to index
        %get3A_350 = arith.index_cast %add3A_334 : i32 to index
        %get3A_351 = arith.constant 32 : index
        %get3A_352 = tpu.vector_load %arg6[%get3A_349, %get3A_350, %get3A_351] {strides = array<i32>} : memref<4x200x64xf32, #tpu.memory_space<vmem>>, vector<1x1x16xf32>,
        %get3A_353 = vector.shape_cast %get3A_352 : vector<1x1x16xf32> to vector<16xf32>
        %add3A_354 = arith.addf %scan3A_329, %get3A_353 : vector<16xf32>
        %get3A_355 = arith.constant 1 : i32
        %get3A_356 = arith.index_cast %get3A_355 : i32 to index
        %get3A_357 = arith.index_cast %add3A_334 : i32 to index
        %get3A_358 = arith.constant 48 : index
        %get3A_359 = tpu.vector_load %arg6[%get3A_356, %get3A_357, %get3A_358] {strides = array<i32>} : memref<4x200x64xf32, #tpu.memory_space<vmem>>, vector<1x1x16xf32>,
        %get3A_360 = vector.shape_cast %get3A_359 : vector<1x1x16xf32> to vector<16xf32>
        %add3A_361 = arith.addf %scan3A_330, %get3A_360 : vector<16xf32>
        %add3A_362 = arith.constant 1 : i32
        %add3A_363 = arith.addi %mul3A_332, %add3A_362 : i32
        %get3A_364 = arith.constant 1 : i32
        %get3A_365 = arith.index_cast %get3A_364 : i32 to index
        %get3A_366 = arith.index_cast %add3A_363 : i32 to index
        %get3A_367 = arith.constant 0 : index
        %get3A_368 = tpu.vector_load %arg6[%get3A_365, %get3A_366, %get3A_367] {strides = array<i32>} : memref<4x200x64xf32, #tpu.memory_space<vmem>>, vector<1x1x16xf32>,
        %get3A_369 = vector.shape_cast %get3A_368 : vector<1x1x16xf32> to vector<16xf32>
        %add3A_370 = arith.addf %add3A_340, %get3A_369 : vector<16xf32>
        %get3A_371 = arith.constant 1 : i32
        %get3A_372 = arith.index_cast %get3A_371 : i32 to index
        %get3A_373 = arith.index_cast %add3A_363 : i32 to index
        %get3A_374 = arith.constant 16 : index
        %get3A_375 = tpu.vector_load %arg6[%get3A_372, %get3A_373, %get3A_374] {strides = array<i32>} : memref<4x200x64xf32, #tpu.memory_space<vmem>>, vector<1x1x16xf32>,
        %get3A_376 = vector.shape_cast %get3A_375 : vector<1x1x16xf32> to vector<16xf32>
        %add3A_377 = arith.addf %add3A_347, %get3A_376 : vector<16xf32>
        %get3A_378 = arith.constant 1 : i32
        %get3A_379 = arith.index_cast %get3A_378 : i32 to index
        %get3A_380 = arith.index_cast %add3A_363 : i32 to index
        %get3A_381 = arith.constant 32 : index
        %get3A_382 = tpu.vector_load %arg6[%get3A_379, %get3A_380, %get3A_381] {strides = array<i32>} : memref<4x200x64xf32, #tpu.memory_space<vmem>>, vector<1x1x16xf32>,
        %get3A_383 = vector.shape_cast %get3A_382 : vector<1x1x16xf32> to vector<16xf32>
        %add3A_384 = arith.addf %add3A_354, %get3A_383 : vector<16xf32>
        %get3A_385 = arith.constant 1 : i32
        %get3A_386 = arith.index_cast %get3A_385 : i32 to index
        %get3A_387 = arith.index_cast %add3A_363 : i32 to index
        %get3A_388 = arith.constant 48 : index
        %get3A_389 = tpu.vector_load %arg6[%get3A_386, %get3A_387, %get3A_388] {strides = array<i32>} : memref<4x200x64xf32, #tpu.memory_space<vmem>>, vector<1x1x16xf32>,
        %get3A_390 = vector.shape_cast %get3A_389 : vector<1x1x16xf32> to vector<16xf32>
        %add3A_391 = arith.addf %add3A_361, %get3A_390 : vector<16xf32>
        %add3A_392 = arith.constant 2 : i32
        %add3A_393 = arith.addi %mul3A_332, %add3A_392 : i32
        %get3A_394 = arith.constant 1 : i32
        %get3A_395 = arith.index_cast %get3A_394 : i32 to index
        %get3A_396 = arith.index_cast %add3A_393 : i32 to index
        %get3A_397 = arith.constant 0 : index
        %get3A_398 = tpu.vector_load %arg6[%get3A_395, %get3A_396, %get3A_397] {strides = array<i32>} : memref<4x200x64xf32, #tpu.memory_space<vmem>>, vector<1x1x16xf32>,
        %get3A_399 = vector.shape_cast %get3A_398 : vector<1x1x16xf32> to vector<16xf32>
        %add3A_400 = arith.addf %add3A_370, %get3A_399 : vector<16xf32>
        %get3A_401 = arith.constant 1 : i32
        %get3A_402 = arith.index_cast %get3A_401 : i32 to index
        %get3A_403 = arith.index_cast %add3A_393 : i32 to index
        %get3A_404 = arith.constant 16 : index
        %get3A_405 = tpu.vector_load %arg6[%get3A_402, %get3A_403, %get3A_404] {strides = array<i32>} : memref<4x200x64xf32, #tpu.memory_space<vmem>>, vector<1x1x16xf32>,
        %get3A_406 = vector.shape_cast %get3A_405 : vector<1x1x16xf32> to vector<16xf32>
        %add3A_407 = arith.addf %add3A_377, %get3A_406 : vector<16xf32>
        %get3A_408 = arith.constant 1 : i32
        %get3A_409 = arith.index_cast %get3A_408 : i32 to index
        %get3A_410 = arith.index_cast %add3A_393 : i32 to index
        %get3A_411 = arith.constant 32 : index
        %get3A_412 = tpu.vector_load %arg6[%get3A_409, %get3A_410, %get3A_411] {strides = array<i32>} : memref<4x200x64xf32, #tpu.memory_space<vmem>>, vector<1x1x16xf32>,
        %get3A_413 = vector.shape_cast %get3A_412 : vector<1x1x16xf32> to vector<16xf32>
        %add3A_414 = arith.addf %add3A_384, %get3A_413 : vector<16xf32>
        %get3A_415 = arith.constant 1 : i32
        %get3A_416 = arith.index_cast %get3A_415 : i32 to index
        %get3A_417 = arith.index_cast %add3A_393 : i32 to index
        %get3A_418 = arith.constant 48 : index
        %get3A_419 = tpu.vector_load %arg6[%get3A_416, %get3A_417, %get3A_418] {strides = array<i32>} : memref<4x200x64xf32, #tpu.memory_space<vmem>>, vector<1x1x16xf32>,
        %get3A_420 = vector.shape_cast %get3A_419 : vector<1x1x16xf32> to vector<16xf32>
        %add3A_421 = arith.addf %add3A_391, %get3A_420 : vector<16xf32>
        %add3A_422 = arith.constant 3 : i32
        %add3A_423 = arith.addi %mul3A_332, %add3A_422 : i32
        %get3A_424 = arith.constant 1 : i32
        %get3A_425 = arith.index_cast %get3A_424 : i32 to index
        %get3A_426 = arith.index_cast %add3A_423 : i32 to index
        %get3A_427 = arith.constant 0 : index
        %get3A_428 = tpu.vector_load %arg6[%get3A_425, %get3A_426, %get3A_427] {strides = array<i32>} : memref<4x200x64xf32, #tpu.memory_space<vmem>>, vector<1x1x16xf32>,
        %get3A_429 = vector.shape_cast %get3A_428 : vector<1x1x16xf32> to vector<16xf32>
        %add3A_430 = arith.addf %add3A_400, %get3A_429 : vector<16xf32>
        %get3A_431 = arith.constant 1 : i32
        %get3A_432 = arith.index_cast %get3A_431 : i32 to index
        %get3A_433 = arith.index_cast %add3A_423 : i32 to index
        %get3A_434 = arith.constant 16 : index
        %get3A_435 = tpu.vector_load %arg6[%get3A_432, %get3A_433, %get3A_434] {strides = array<i32>} : memref<4x200x64xf32, #tpu.memory_space<vmem>>, vector<1x1x16xf32>,
        %get3A_436 = vector.shape_cast %get3A_435 : vector<1x1x16xf32> to vector<16xf32>
        %add3A_437 = arith.addf %add3A_407, %get3A_436 : vector<16xf32>
        %get3A_438 = arith.constant 1 : i32
        %get3A_439 = arith.index_cast %get3A_438 : i32 to index
        %get3A_440 = arith.index_cast %add3A_423 : i32 to index
        %get3A_441 = arith.constant 32 : index
        %get3A_442 = tpu.vector_load %arg6[%get3A_439, %get3A_440, %get3A_441] {strides = array<i32>} : memref<4x200x64xf32, #tpu.memory_space<vmem>>, vector<1x1x16xf32>,
        %get3A_443 = vector.shape_cast %get3A_442 : vector<1x1x16xf32> to vector<16xf32>
        %add3A_444 = arith.addf %add3A_414, %get3A_443 : vector<16xf32>
        %get3A_445 = arith.constant 1 : i32
        %get3A_446 = arith.index_cast %get3A_445 : i32 to index
        %get3A_447 = arith.index_cast %add3A_423 : i32 to index
        %get3A_448 = arith.constant 48 : index
        %get3A_449 = tpu.vector_load %arg6[%get3A_446, %get3A_447, %get3A_448] {strides = array<i32>} : memref<4x200x64xf32, #tpu.memory_space<vmem>>, vector<1x1x16xf32>,
        %get3A_450 = vector.shape_cast %get3A_449 : vector<1x1x16xf32> to vector<16xf32>
        %add3A_451 = arith.addf %add3A_421, %get3A_450 : vector<16xf32>
        %add3A_452 = arith.constant 4 : i32
        %add3A_453 = arith.addi %mul3A_332, %add3A_452 : i32
        %get3A_454 = arith.constant 1 : i32
        %get3A_455 = arith.index_cast %get3A_454 : i32 to index
        %get3A_456 = arith.index_cast %add3A_453 : i32 to index
        %get3A_457 = arith.constant 0 : index
        %get3A_458 = tpu.vector_load %arg6[%get3A_455, %get3A_456, %get3A_457] {strides = array<i32>} : memref<4x200x64xf32, #tpu.memory_space<vmem>>, vector<1x1x16xf32>,
        %get3A_459 = vector.shape_cast %get3A_458 : vector<1x1x16xf32> to vector<16xf32>
        %add3A_460 = arith.addf %add3A_430, %get3A_459 : vector<16xf32>
        %get3A_461 = arith.constant 1 : i32
        %get3A_462 = arith.index_cast %get3A_461 : i32 to index
        %get3A_463 = arith.index_cast %add3A_453 : i32 to index
        %get3A_464 = arith.constant 16 : index
        %get3A_465 = tpu.vector_load %arg6[%get3A_462, %get3A_463, %get3A_464] {strides = array<i32>} : memref<4x200x64xf32, #tpu.memory_space<vmem>>, vector<1x1x16xf32>,
        %get3A_466 = vector.shape_cast %get3A_465 : vector<1x1x16xf32> to vector<16xf32>
        %add3A_467 = arith.addf %add3A_437, %get3A_466 : vector<16xf32>
        %get3A_468 = arith.constant 1 : i32
        %get3A_469 = arith.index_cast %get3A_468 : i32 to index
        %get3A_470 = arith.index_cast %add3A_453 : i32 to index
        %get3A_471 = arith.constant 32 : index
        %get3A_472 = tpu.vector_load %arg6[%get3A_469, %get3A_470, %get3A_471] {strides = array<i32>} : memref<4x200x64xf32, #tpu.memory_space<vmem>>, vector<1x1x16xf32>,
        %get3A_473 = vector.shape_cast %get3A_472 : vector<1x1x16xf32> to vector<16xf32>
        %add3A_474 = arith.addf %add3A_444, %get3A_473 : vector<16xf32>
        %get3A_475 = arith.constant 1 : i32
        %get3A_476 = arith.index_cast %get3A_475 : i32 to index
        %get3A_477 = arith.index_cast %add3A_453 : i32 to index
        %get3A_478 = arith.constant 48 : index
        %get3A_479 = tpu.vector_load %arg6[%get3A_476, %get3A_477, %get3A_478] {strides = array<i32>} : memref<4x200x64xf32, #tpu.memory_space<vmem>>, vector<1x1x16xf32>,
        %get3A_480 = vector.shape_cast %get3A_479 : vector<1x1x16xf32> to vector<16xf32>
        %add3A_481 = arith.addf %add3A_451, %get3A_480 : vector<16xf32>
        %add3A_482 = arith.constant 5 : i32
        %add3A_483 = arith.addi %mul3A_332, %add3A_482 : i32
        %get3A_484 = arith.constant 1 : i32
        %get3A_485 = arith.index_cast %get3A_484 : i32 to index
        %get3A_486 = arith.index_cast %add3A_483 : i32 to index
        %get3A_487 = arith.constant 0 : index
        %get3A_488 = tpu.vector_load %arg6[%get3A_485, %get3A_486, %get3A_487] {strides = array<i32>} : memref<4x200x64xf32, #tpu.memory_space<vmem>>, vector<1x1x16xf32>,
        %get3A_489 = vector.shape_cast %get3A_488 : vector<1x1x16xf32> to vector<16xf32>
        %add3A_490 = arith.addf %add3A_460, %get3A_489 : vector<16xf32>
        %get3A_491 = arith.constant 1 : i32
        %get3A_492 = arith.index_cast %get3A_491 : i32 to index
        %get3A_493 = arith.index_cast %add3A_483 : i32 to index
        %get3A_494 = arith.constant 16 : index
        %get3A_495 = tpu.vector_load %arg6[%get3A_492, %get3A_493, %get3A_494] {strides = array<i32>} : memref<4x200x64xf32, #tpu.memory_space<vmem>>, vector<1x1x16xf32>,
        %get3A_496 = vector.shape_cast %get3A_495 : vector<1x1x16xf32> to vector<16xf32>
        %add3A_497 = arith.addf %add3A_467, %get3A_496 : vector<16xf32>
        %get3A_498 = arith.constant 1 : i32
        %get3A_499 = arith.index_cast %get3A_498 : i32 to index
        %get3A_500 = arith.index_cast %add3A_483 : i32 to index
        %get3A_501 = arith.constant 32 : index
        %get3A_502 = tpu.vector_load %arg6[%get3A_499, %get3A_500, %get3A_501] {strides = array<i32>} : memref<4x200x64xf32, #tpu.memory_space<vmem>>, vector<1x1x16xf32>,
        %get3A_503 = vector.shape_cast %get3A_502 : vector<1x1x16xf32> to vector<16xf32>
        %add3A_504 = arith.addf %add3A_474, %get3A_503 : vector<16xf32>
        %get3A_505 = arith.constant 1 : i32
        %get3A_506 = arith.index_cast %get3A_505 : i32 to index
        %get3A_507 = arith.index_cast %add3A_483 : i32 to index
        %get3A_508 = arith.constant 48 : index
        %get3A_509 = tpu.vector_load %arg6[%get3A_506, %get3A_507, %get3A_508] {strides = array<i32>} : memref<4x200x64xf32, #tpu.memory_space<vmem>>, vector<1x1x16xf32>,
        %get3A_510 = vector.shape_cast %get3A_509 : vector<1x1x16xf32> to vector<16xf32>
        %add3A_511 = arith.addf %add3A_481, %get3A_510 : vector<16xf32>
        %add3A_512 = arith.constant 6 : i32
        %add3A_513 = arith.addi %mul3A_332, %add3A_512 : i32
        %get3A_514 = arith.constant 1 : i32
        %get3A_515 = arith.index_cast %get3A_514 : i32 to index
        %get3A_516 = arith.index_cast %add3A_513 : i32 to index
        %get3A_517 = arith.constant 0 : index
        %get3A_518 = tpu.vector_load %arg6[%get3A_515, %get3A_516, %get3A_517] {strides = array<i32>} : memref<4x200x64xf32, #tpu.memory_space<vmem>>, vector<1x1x16xf32>,
        %get3A_519 = vector.shape_cast %get3A_518 : vector<1x1x16xf32> to vector<16xf32>
        %add3A_520 = arith.addf %add3A_490, %get3A_519 : vector<16xf32>
        %get3A_521 = arith.constant 1 : i32
        %get3A_522 = arith.index_cast %get3A_521 : i32 to index
        %get3A_523 = arith.index_cast %add3A_513 : i32 to index
        %get3A_524 = arith.constant 16 : index
        %get3A_525 = tpu.vector_load %arg6[%get3A_522, %get3A_523, %get3A_524] {strides = array<i32>} : memref<4x200x64xf32, #tpu.memory_space<vmem>>, vector<1x1x16xf32>,
        %get3A_526 = vector.shape_cast %get3A_525 : vector<1x1x16xf32> to vector<16xf32>
        %add3A_527 = arith.addf %add3A_497, %get3A_526 : vector<16xf32>
        %get3A_528 = arith.constant 1 : i32
        %get3A_529 = arith.index_cast %get3A_528 : i32 to index
        %get3A_530 = arith.index_cast %add3A_513 : i32 to index
        %get3A_531 = arith.constant 32 : index
        %get3A_532 = tpu.vector_load %arg6[%get3A_529, %get3A_530, %get3A_531] {strides = array<i32>} : memref<4x200x64xf32, #tpu.memory_space<vmem>>, vector<1x1x16xf32>,
        %get3A_533 = vector.shape_cast %get3A_532 : vector<1x1x16xf32> to vector<16xf32>
        %add3A_534 = arith.addf %add3A_504, %get3A_533 : vector<16xf32>
        %get3A_535 = arith.constant 1 : i32
        %get3A_536 = arith.index_cast %get3A_535 : i32 to index
        %get3A_537 = arith.index_cast %add3A_513 : i32 to index
        %get3A_538 = arith.constant 48 : index
        %get3A_539 = tpu.vector_load %arg6[%get3A_536, %get3A_537, %get3A_538] {strides = array<i32>} : memref<4x200x64xf32, #tpu.memory_space<vmem>>, vector<1x1x16xf32>,
        %get3A_540 = vector.shape_cast %get3A_539 : vector<1x1x16xf32> to vector<16xf32>
        %add3A_541 = arith.addf %add3A_511, %get3A_540 : vector<16xf32>
        %add3A_542 = arith.constant 7 : i32
        %add3A_543 = arith.addi %mul3A_332, %add3A_542 : i32
        %get3A_544 = arith.constant 1 : i32
        %get3A_545 = arith.index_cast %get3A_544 : i32 to index
        %get3A_546 = arith.index_cast %add3A_543 : i32 to index
        %get3A_547 = arith.constant 0 : index
        %get3A_548 = tpu.vector_load %arg6[%get3A_545, %get3A_546, %get3A_547] {strides = array<i32>} : memref<4x200x64xf32, #tpu.memory_space<vmem>>, vector<1x1x16xf32>,
        %get3A_549 = vector.shape_cast %get3A_548 : vector<1x1x16xf32> to vector<16xf32>
        %add3A_550 = arith.addf %add3A_520, %get3A_549 : vector<16xf32>
        %get3A_551 = arith.constant 1 : i32
        %get3A_552 = arith.index_cast %get3A_551 : i32 to index
        %get3A_553 = arith.index_cast %add3A_543 : i32 to index
        %get3A_554 = arith.constant 16 : index
        %get3A_555 = tpu.vector_load %arg6[%get3A_552, %get3A_553, %get3A_554] {strides = array<i32>} : memref<4x200x64xf32, #tpu.memory_space<vmem>>, vector<1x1x16xf32>,
        %get3A_556 = vector.shape_cast %get3A_555 : vector<1x1x16xf32> to vector<16xf32>
        %add3A_557 = arith.addf %add3A_527, %get3A_556 : vector<16xf32>
        %get3A_558 = arith.constant 1 : i32
        %get3A_559 = arith.index_cast %get3A_558 : i32 to index
        %get3A_560 = arith.index_cast %add3A_543 : i32 to index
        %get3A_561 = arith.constant 32 : index
        %get3A_562 = tpu.vector_load %arg6[%get3A_559, %get3A_560, %get3A_561] {strides = array<i32>} : memref<4x200x64xf32, #tpu.memory_space<vmem>>, vector<1x1x16xf32>,
        %get3A_563 = vector.shape_cast %get3A_562 : vector<1x1x16xf32> to vector<16xf32>
        %add3A_564 = arith.addf %add3A_534, %get3A_563 : vector<16xf32>
        %get3A_565 = arith.constant 1 : i32
        %get3A_566 = arith.index_cast %get3A_565 : i32 to index
        %get3A_567 = arith.index_cast %add3A_543 : i32 to index
        %get3A_568 = arith.constant 48 : index
        %get3A_569 = tpu.vector_load %arg6[%get3A_566, %get3A_567, %get3A_568] {strides = array<i32>} : memref<4x200x64xf32, #tpu.memory_space<vmem>>, vector<1x1x16xf32>,
        %get3A_570 = vector.shape_cast %get3A_569 : vector<1x1x16xf32> to vector<16xf32>
        %add3A_571 = arith.addf %add3A_541, %get3A_570 : vector<16xf32>
        scf.yield %add3A_550, %add3A_557, %add3A_564, %add3A_571 : vector<16xf32>, vector<16xf32>, vector<16xf32>, vector<16xf32>
      }
      %scan3A_179 = arith.constant 25 : i32
      %swap3A_180 = arith.index_cast %add3A_140 : i32 to index
      %swap3A_181 = arith.constant 0 : index
      %swap3A_182 = tpu.vector_load %arg7[%swap3A_180, %swap3A_181] {strides = array<i32>} : memref<128x64xf32, #tpu.memory_space<vmem>>, vector<1x16xf32>,
      %swap3A_183 = vector.shape_cast %swap3A_182 : vector<1x16xf32> to vector<16xf32>
      %swap3A_184 = vector.shape_cast %scan3A_178#0 : vector<16xf32> to vector<1x16xf32>
      tpu.vector_store %arg7[%swap3A_180, %swap3A_181], %swap3A_184 {strides = array<i32>} : memref<128x64xf32, #tpu.memory_space<vmem>>, vector<1x16xf32>,
      %swap3A_185 = arith.index_cast %add3A_140 : i32 to index
      %swap3A_186 = arith.constant 16 : index
      %swap3A_187 = tpu.vector_load %arg7[%swap3A_185, %swap3A_186] {strides = array<i32>} : memref<128x64xf32, #tpu.memory_space<vmem>>, vector<1x16xf32>,
      %swap3A_188 = vector.shape_cast %swap3A_187 : vector<1x16xf32> to vector<16xf32>
      %swap3A_189 = vector.shape_cast %scan3A_178#1 : vector<16xf32> to vector<1x16xf32>
      tpu.vector_store %arg7[%swap3A_185, %swap3A_186], %swap3A_189 {strides = array<i32>} : memref<128x64xf32, #tpu.memory_space<vmem>>, vector<1x16xf32>,
      %swap3A_190 = arith.index_cast %add3A_140 : i32 to index
      %swap3A_191 = arith.constant 32 : index
      %swap3A_192 = tpu.vector_load %arg7[%swap3A_190, %swap3A_191] {strides = array<i32>} : memref<128x64xf32, #tpu.memory_space<vmem>>, vector<1x16xf32>,
      %swap3A_193 = vector.shape_cast %swap3A_192 : vector<1x16xf32> to vector<16xf32>
      %swap3A_194 = vector.shape_cast %scan3A_178#2 : vector<16xf32> to vector<1x16xf32>
      tpu.vector_store %arg7[%swap3A_190, %swap3A_191], %swap3A_194 {strides = array<i32>} : memref<128x64xf32, #tpu.memory_space<vmem>>, vector<1x16xf32>,
      %swap3A_195 = arith.index_cast %add3A_140 : i32 to index
      %swap3A_196 = arith.constant 48 : index
      %swap3A_197 = tpu.vector_load %arg7[%swap3A_195, %swap3A_196] {strides = array<i32>} : memref<128x64xf32, #tpu.memory_space<vmem>>, vector<1x16xf32>,
      %swap3A_198 = vector.shape_cast %swap3A_197 : vector<1x16xf32> to vector<16xf32>
      %swap3A_199 = vector.shape_cast %scan3A_178#3 : vector<16xf32> to vector<1x16xf32>
      tpu.vector_store %arg7[%swap3A_195, %swap3A_196], %swap3A_199 {strides = array<i32>} : memref<128x64xf32, #tpu.memory_space<vmem>>, vector<1x16xf32>,
      %mul3A_200 = arith.constant 4 : i32
      %mul3A_201 = arith.muli %scan3A_79, %mul3A_200 : i32
      %add3A_202 = arith.constant 2 : i32
      %add3A_203 = arith.addi %mul3A_201, %add3A_202 : i32
      %dma_wait3A_204 = arith.constant 0 : i32
      %dma_wait3A_205 = arith.constant 2 : i32
      %dma_wait3A_206 = arith.constant 0 : i32
      %dma_wait3A_207 = arith.constant 0 : i32
      %dma_wait3A_208 = tpu.memref_slice %arg6[%dma_wait3A_205, %dma_wait3A_206, %dma_wait3A_207] : memref<4x200x64xf32, #tpu.memory_space<vmem>> -> memref<1x104x64xf32, #tpu.memory_space<vmem>>
      %dma_wait3A_209 = tpu.memref_squeeze %dma_wait3A_208 : memref<1x104x64xf32, #tpu.memory_space<vmem>> -> memref<104x64xf32, #tpu.memory_space<vmem>>
      %dma_wait3A_210 = arith.constant 0 : i32
      %dma_wait3A_211 = tpu.memref_slice %arg5[%dma_wait3A_204, %dma_wait3A_210] : memref<128x200xi32, #tpu.memory_space<vmem>> -> memref<1x104xi32, #tpu.memory_space<vmem>>
      %dma_wait3A_212 = tpu.memref_squeeze %dma_wait3A_211 : memref<1x104xi32, #tpu.memory_space<vmem>> -> memref<104xi32, #tpu.memory_space<vmem>>
      %dma_wait3A_213 = arith.constant 0 : i32
      %dma_wait3A_214 = arith.constant 0 : i32
      %dma_wait3A_215 = tpu.memref_slice %arg3[%dma_wait3A_213, %dma_wait3A_214] : memref<200000x64xf32, #tpu.memory_space<hbm>> -> memref<200000x64xf32, #tpu.memory_space<hbm>>
      tpu.wait_indirect_dma semaphore(%arg10 : memref<!tpu.dma_semaphore, #tpu.memory_space<semaphore_mem>>) src(%dma_wait3A_215 : memref<200000x64xf32, #tpu.memory_space<hbm>>) dst(%dma_wait3A_209 : memref<104x64xf32, #tpu.memory_space<vmem>>)
      %dma_wait3A_216 = arith.constant 0 : i32
      %dma_wait3A_217 = arith.constant 2 : i32
      %dma_wait3A_218 = arith.constant 104 : i32
      %dma_wait3A_219 = arith.constant 0 : i32
      %dma_wait3A_220 = tpu.memref_slice %arg6[%dma_wait3A_217, %dma_wait3A_218, %dma_wait3A_219] : memref<4x200x64xf32, #tpu.memory_space<vmem>> -> memref<1x96x64xf32, #tpu.memory_space<vmem>>
      %dma_wait3A_221 = tpu.memref_squeeze %dma_wait3A_220 : memref<1x96x64xf32, #tpu.memory_space<vmem>> -> memref<96x64xf32, #tpu.memory_space<vmem>>
      %dma_wait3A_222 = arith.constant 104 : i32
      %dma_wait3A_223 = tpu.memref_slice %arg5[%dma_wait3A_216, %dma_wait3A_222] : memref<128x200xi32, #tpu.memory_space<vmem>> -> memref<1x96xi32, #tpu.memory_space<vmem>>
      %dma_wait3A_224 = tpu.memref_squeeze %dma_wait3A_223 : memref<1x96xi32, #tpu.memory_space<vmem>> -> memref<96xi32, #tpu.memory_space<vmem>>
      %dma_wait3A_225 = arith.constant 0 : i32
      %dma_wait3A_226 = arith.constant 0 : i32
      %dma_wait3A_227 = tpu.memref_slice %arg3[%dma_wait3A_225, %dma_wait3A_226] : memref<200000x64xf32, #tpu.memory_space<hbm>> -> memref<200000x64xf32, #tpu.memory_space<hbm>>
      tpu.wait_indirect_dma semaphore(%arg10 : memref<!tpu.dma_semaphore, #tpu.memory_space<semaphore_mem>>) src(%dma_wait3A_227 : memref<200000x64xf32, #tpu.memory_space<hbm>>) dst(%dma_wait3A_221 : memref<96x64xf32, #tpu.memory_space<vmem>>)
      %add3A_228 = arith.constant 3 : i32
      %add3A_229 = arith.addi %add3A_203, %add3A_228 : i32
      %lt3A_230 = arith.constant 128 : i32
      %lt3A_231 = arith.cmpi slt, %add3A_229, %lt3A_230 : i32
      %convert_element_type3A_232 = arith.extui %lt3A_231 : i1 to i32
      %cond3A_233 = arith.constant 0 : i32
      %cond3A_234 = arith.cmpi ne, %convert_element_type3A_232, %cond3A_233 : i32
      scf.if %cond3A_234 {
        %dma_start3A_326 = arith.constant 1 : i32
        %dma_start3A_327 = arith.constant 0 : i32
        %dma_start3A_328 = arith.constant 0 : i32
        %dma_start3A_329 = tpu.memref_slice %arg6[%dma_start3A_326, %dma_start3A_327, %dma_start3A_328] : memref<4x200x64xf32, #tpu.memory_space<vmem>> -> memref<1x104x64xf32, #tpu.memory_space<vmem>>
        %dma_start3A_330 = tpu.memref_squeeze %dma_start3A_329 : memref<1x104x64xf32, #tpu.memory_space<vmem>> -> memref<104x64xf32, #tpu.memory_space<vmem>>
        %dma_start3A_331 = arith.constant 0 : i32
        %dma_start3A_332 = tpu.memref_slice %arg5[%add3A_229, %dma_start3A_331] : memref<128x200xi32, #tpu.memory_space<vmem>> -> memref<1x104xi32, #tpu.memory_space<vmem>>
        %dma_start3A_333 = tpu.memref_squeeze %dma_start3A_332 : memref<1x104xi32, #tpu.memory_space<vmem>> -> memref<104xi32, #tpu.memory_space<vmem>>
        %dma_start3A_334 = arith.constant 0 : i32
        %dma_start3A_335 = arith.constant 0 : i32
        %dma_start3A_336 = tpu.memref_slice %arg3[%dma_start3A_334, %dma_start3A_335] : memref<200000x64xf32, #tpu.memory_space<hbm>> -> memref<200000x64xf32, #tpu.memory_space<hbm>>
        tpu.enqueue_indirect_dma source(%dma_start3A_336 : memref<200000x64xf32, #tpu.memory_space<hbm>>) target(%dma_start3A_330 : memref<104x64xf32, #tpu.memory_space<vmem>>) offsets(%dma_start3A_333 : memref<104xi32, #tpu.memory_space<vmem>>) semaphore(%arg9 : memref<!tpu.dma_semaphore, #tpu.memory_space<semaphore_mem>>)
        %dma_start3A_337 = arith.constant 1 : i32
        %dma_start3A_338 = arith.constant 104 : i32
        %dma_start3A_339 = arith.constant 0 : i32
        %dma_start3A_340 = tpu.memref_slice %arg6[%dma_start3A_337, %dma_start3A_338, %dma_start3A_339] : memref<4x200x64xf32, #tpu.memory_space<vmem>> -> memref<1x96x64xf32, #tpu.memory_space<vmem>>
        %dma_start3A_341 = tpu.memref_squeeze %dma_start3A_340 : memref<1x96x64xf32, #tpu.memory_space<vmem>> -> memref<96x64xf32, #tpu.memory_space<vmem>>
        %dma_start3A_342 = arith.constant 104 : i32
        %dma_start3A_343 = tpu.memref_slice %arg5[%add3A_229, %dma_start3A_342] : memref<128x200xi32, #tpu.memory_space<vmem>> -> memref<1x96xi32, #tpu.memory_space<vmem>>
        %dma_start3A_344 = tpu.memref_squeeze %dma_start3A_343 : memref<1x96xi32, #tpu.memory_space<vmem>> -> memref<96xi32, #tpu.memory_space<vmem>>
        %dma_start3A_345 = arith.constant 0 : i32
        %dma_start3A_346 = arith.constant 0 : i32
        %dma_start3A_347 = tpu.memref_slice %arg3[%dma_start3A_345, %dma_start3A_346] : memref<200000x64xf32, #tpu.memory_space<hbm>> -> memref<200000x64xf32, #tpu.memory_space<hbm>>
        tpu.enqueue_indirect_dma source(%dma_start3A_347 : memref<200000x64xf32, #tpu.memory_space<hbm>>) target(%dma_start3A_341 : memref<96x64xf32, #tpu.memory_space<vmem>>) offsets(%dma_start3A_344 : memref<96xi32, #tpu.memory_space<vmem>>) semaphore(%arg9 : memref<!tpu.dma_semaphore, #tpu.memory_space<semaphore_mem>>)
      } else {
      }
      %broadcast_in_dim3A_235 = arith.constant 0.000000e+00 : f32
      %broadcast_in_dim3A_236 = vector.broadcast %broadcast_in_dim3A_235 : f32 to vector<16xf32>
      %scan3A_237 = arith.constant 0 : i32
      %scan3A_238 = arith.constant 25 : i32
      %scan3A_239 = arith.addi %scan3A_237, %scan3A_238 : i32
      %scan3A_240 = arith.constant 1 : i32
      %scan3A_241:4 = scf.for %scan3A_326 = %scan3A_237 to %scan3A_239 step %scan3A_240 iter_args(%scan3A_327 = %broadcast_in_dim3A_236, %scan3A_328 = %broadcast_in_dim3A_236, %scan3A_329 = %broadcast_in_dim3A_236, %scan3A_330 = %broadcast_in_dim3A_236) -> (vector<16xf32>, vector<16xf32>, vector<16xf32>, vector<16xf32>)  : i32 {
        %mul3A_331 = arith.constant 8 : i32
        %mul3A_332 = arith.muli %scan3A_326, %mul3A_331 : i32
        %add3A_333 = arith.constant 0 : i32
        %add3A_334 = arith.addi %mul3A_332, %add3A_333 : i32
        %get3A = arith.constant 2 : i32
        %get3A_335 = arith.index_cast %get3A : i32 to index
        %get3A_336 = arith.index_cast %add3A_334 : i32 to index
        %get3A_337 = arith.constant 0 : index
        %get3A_338 = tpu.vector_load %arg6[%get3A_335, %get3A_336, %get3A_337] {strides = array<i32>} : memref<4x200x64xf32, #tpu.memory_space<vmem>>, vector<1x1x16xf32>,
        %get3A_339 = vector.shape_cast %get3A_338 : vector<1x1x16xf32> to vector<16xf32>
        %add3A_340 = arith.addf %scan3A_327, %get3A_339 : vector<16xf32>
        %get3A_341 = arith.constant 2 : i32
        %get3A_342 = arith.index_cast %get3A_341 : i32 to index
        %get3A_343 = arith.index_cast %add3A_334 : i32 to index
        %get3A_344 = arith.constant 16 : index
        %get3A_345 = tpu.vector_load %arg6[%get3A_342, %get3A_343, %get3A_344] {strides = array<i32>} : memref<4x200x64xf32, #tpu.memory_space<vmem>>, vector<1x1x16xf32>,
        %get3A_346 = vector.shape_cast %get3A_345 : vector<1x1x16xf32> to vector<16xf32>
        %add3A_347 = arith.addf %scan3A_328, %get3A_346 : vector<16xf32>
        %get3A_348 = arith.constant 2 : i32
        %get3A_349 = arith.index_cast %get3A_348 : i32 to index
        %get3A_350 = arith.index_cast %add3A_334 : i32 to index
        %get3A_351 = arith.constant 32 : index
        %get3A_352 = tpu.vector_load %arg6[%get3A_349, %get3A_350, %get3A_351] {strides = array<i32>} : memref<4x200x64xf32, #tpu.memory_space<vmem>>, vector<1x1x16xf32>,
        %get3A_353 = vector.shape_cast %get3A_352 : vector<1x1x16xf32> to vector<16xf32>
        %add3A_354 = arith.addf %scan3A_329, %get3A_353 : vector<16xf32>
        %get3A_355 = arith.constant 2 : i32
        %get3A_356 = arith.index_cast %get3A_355 : i32 to index
        %get3A_357 = arith.index_cast %add3A_334 : i32 to index
        %get3A_358 = arith.constant 48 : index
        %get3A_359 = tpu.vector_load %arg6[%get3A_356, %get3A_357, %get3A_358] {strides = array<i32>} : memref<4x200x64xf32, #tpu.memory_space<vmem>>, vector<1x1x16xf32>,
        %get3A_360 = vector.shape_cast %get3A_359 : vector<1x1x16xf32> to vector<16xf32>
        %add3A_361 = arith.addf %scan3A_330, %get3A_360 : vector<16xf32>
        %add3A_362 = arith.constant 1 : i32
        %add3A_363 = arith.addi %mul3A_332, %add3A_362 : i32
        %get3A_364 = arith.constant 2 : i32
        %get3A_365 = arith.index_cast %get3A_364 : i32 to index
        %get3A_366 = arith.index_cast %add3A_363 : i32 to index
        %get3A_367 = arith.constant 0 : index
        %get3A_368 = tpu.vector_load %arg6[%get3A_365, %get3A_366, %get3A_367] {strides = array<i32>} : memref<4x200x64xf32, #tpu.memory_space<vmem>>, vector<1x1x16xf32>,
        %get3A_369 = vector.shape_cast %get3A_368 : vector<1x1x16xf32> to vector<16xf32>
        %add3A_370 = arith.addf %add3A_340, %get3A_369 : vector<16xf32>
        %get3A_371 = arith.constant 2 : i32
        %get3A_372 = arith.index_cast %get3A_371 : i32 to index
        %get3A_373 = arith.index_cast %add3A_363 : i32 to index
        %get3A_374 = arith.constant 16 : index
        %get3A_375 = tpu.vector_load %arg6[%get3A_372, %get3A_373, %get3A_374] {strides = array<i32>} : memref<4x200x64xf32, #tpu.memory_space<vmem>>, vector<1x1x16xf32>,
        %get3A_376 = vector.shape_cast %get3A_375 : vector<1x1x16xf32> to vector<16xf32>
        %add3A_377 = arith.addf %add3A_347, %get3A_376 : vector<16xf32>
        %get3A_378 = arith.constant 2 : i32
        %get3A_379 = arith.index_cast %get3A_378 : i32 to index
        %get3A_380 = arith.index_cast %add3A_363 : i32 to index
        %get3A_381 = arith.constant 32 : index
        %get3A_382 = tpu.vector_load %arg6[%get3A_379, %get3A_380, %get3A_381] {strides = array<i32>} : memref<4x200x64xf32, #tpu.memory_space<vmem>>, vector<1x1x16xf32>,
        %get3A_383 = vector.shape_cast %get3A_382 : vector<1x1x16xf32> to vector<16xf32>
        %add3A_384 = arith.addf %add3A_354, %get3A_383 : vector<16xf32>
        %get3A_385 = arith.constant 2 : i32
        %get3A_386 = arith.index_cast %get3A_385 : i32 to index
        %get3A_387 = arith.index_cast %add3A_363 : i32 to index
        %get3A_388 = arith.constant 48 : index
        %get3A_389 = tpu.vector_load %arg6[%get3A_386, %get3A_387, %get3A_388] {strides = array<i32>} : memref<4x200x64xf32, #tpu.memory_space<vmem>>, vector<1x1x16xf32>,
        %get3A_390 = vector.shape_cast %get3A_389 : vector<1x1x16xf32> to vector<16xf32>
        %add3A_391 = arith.addf %add3A_361, %get3A_390 : vector<16xf32>
        %add3A_392 = arith.constant 2 : i32
        %add3A_393 = arith.addi %mul3A_332, %add3A_392 : i32
        %get3A_394 = arith.constant 2 : i32
        %get3A_395 = arith.index_cast %get3A_394 : i32 to index
        %get3A_396 = arith.index_cast %add3A_393 : i32 to index
        %get3A_397 = arith.constant 0 : index
        %get3A_398 = tpu.vector_load %arg6[%get3A_395, %get3A_396, %get3A_397] {strides = array<i32>} : memref<4x200x64xf32, #tpu.memory_space<vmem>>, vector<1x1x16xf32>,
        %get3A_399 = vector.shape_cast %get3A_398 : vector<1x1x16xf32> to vector<16xf32>
        %add3A_400 = arith.addf %add3A_370, %get3A_399 : vector<16xf32>
        %get3A_401 = arith.constant 2 : i32
        %get3A_402 = arith.index_cast %get3A_401 : i32 to index
        %get3A_403 = arith.index_cast %add3A_393 : i32 to index
        %get3A_404 = arith.constant 16 : index
        %get3A_405 = tpu.vector_load %arg6[%get3A_402, %get3A_403, %get3A_404] {strides = array<i32>} : memref<4x200x64xf32, #tpu.memory_space<vmem>>, vector<1x1x16xf32>,
        %get3A_406 = vector.shape_cast %get3A_405 : vector<1x1x16xf32> to vector<16xf32>
        %add3A_407 = arith.addf %add3A_377, %get3A_406 : vector<16xf32>
        %get3A_408 = arith.constant 2 : i32
        %get3A_409 = arith.index_cast %get3A_408 : i32 to index
        %get3A_410 = arith.index_cast %add3A_393 : i32 to index
        %get3A_411 = arith.constant 32 : index
        %get3A_412 = tpu.vector_load %arg6[%get3A_409, %get3A_410, %get3A_411] {strides = array<i32>} : memref<4x200x64xf32, #tpu.memory_space<vmem>>, vector<1x1x16xf32>,
        %get3A_413 = vector.shape_cast %get3A_412 : vector<1x1x16xf32> to vector<16xf32>
        %add3A_414 = arith.addf %add3A_384, %get3A_413 : vector<16xf32>
        %get3A_415 = arith.constant 2 : i32
        %get3A_416 = arith.index_cast %get3A_415 : i32 to index
        %get3A_417 = arith.index_cast %add3A_393 : i32 to index
        %get3A_418 = arith.constant 48 : index
        %get3A_419 = tpu.vector_load %arg6[%get3A_416, %get3A_417, %get3A_418] {strides = array<i32>} : memref<4x200x64xf32, #tpu.memory_space<vmem>>, vector<1x1x16xf32>,
        %get3A_420 = vector.shape_cast %get3A_419 : vector<1x1x16xf32> to vector<16xf32>
        %add3A_421 = arith.addf %add3A_391, %get3A_420 : vector<16xf32>
        %add3A_422 = arith.constant 3 : i32
        %add3A_423 = arith.addi %mul3A_332, %add3A_422 : i32
        %get3A_424 = arith.constant 2 : i32
        %get3A_425 = arith.index_cast %get3A_424 : i32 to index
        %get3A_426 = arith.index_cast %add3A_423 : i32 to index
        %get3A_427 = arith.constant 0 : index
        %get3A_428 = tpu.vector_load %arg6[%get3A_425, %get3A_426, %get3A_427] {strides = array<i32>} : memref<4x200x64xf32, #tpu.memory_space<vmem>>, vector<1x1x16xf32>,
        %get3A_429 = vector.shape_cast %get3A_428 : vector<1x1x16xf32> to vector<16xf32>
        %add3A_430 = arith.addf %add3A_400, %get3A_429 : vector<16xf32>
        %get3A_431 = arith.constant 2 : i32
        %get3A_432 = arith.index_cast %get3A_431 : i32 to index
        %get3A_433 = arith.index_cast %add3A_423 : i32 to index
        %get3A_434 = arith.constant 16 : index
        %get3A_435 = tpu.vector_load %arg6[%get3A_432, %get3A_433, %get3A_434] {strides = array<i32>} : memref<4x200x64xf32, #tpu.memory_space<vmem>>, vector<1x1x16xf32>,
        %get3A_436 = vector.shape_cast %get3A_435 : vector<1x1x16xf32> to vector<16xf32>
        %add3A_437 = arith.addf %add3A_407, %get3A_436 : vector<16xf32>
        %get3A_438 = arith.constant 2 : i32
        %get3A_439 = arith.index_cast %get3A_438 : i32 to index
        %get3A_440 = arith.index_cast %add3A_423 : i32 to index
        %get3A_441 = arith.constant 32 : index
        %get3A_442 = tpu.vector_load %arg6[%get3A_439, %get3A_440, %get3A_441] {strides = array<i32>} : memref<4x200x64xf32, #tpu.memory_space<vmem>>, vector<1x1x16xf32>,
        %get3A_443 = vector.shape_cast %get3A_442 : vector<1x1x16xf32> to vector<16xf32>
        %add3A_444 = arith.addf %add3A_414, %get3A_443 : vector<16xf32>
        %get3A_445 = arith.constant 2 : i32
        %get3A_446 = arith.index_cast %get3A_445 : i32 to index
        %get3A_447 = arith.index_cast %add3A_423 : i32 to index
        %get3A_448 = arith.constant 48 : index
        %get3A_449 = tpu.vector_load %arg6[%get3A_446, %get3A_447, %get3A_448] {strides = array<i32>} : memref<4x200x64xf32, #tpu.memory_space<vmem>>, vector<1x1x16xf32>,
        %get3A_450 = vector.shape_cast %get3A_449 : vector<1x1x16xf32> to vector<16xf32>
        %add3A_451 = arith.addf %add3A_421, %get3A_450 : vector<16xf32>
        %add3A_452 = arith.constant 4 : i32
        %add3A_453 = arith.addi %mul3A_332, %add3A_452 : i32
        %get3A_454 = arith.constant 2 : i32
        %get3A_455 = arith.index_cast %get3A_454 : i32 to index
        %get3A_456 = arith.index_cast %add3A_453 : i32 to index
        %get3A_457 = arith.constant 0 : index
        %get3A_458 = tpu.vector_load %arg6[%get3A_455, %get3A_456, %get3A_457] {strides = array<i32>} : memref<4x200x64xf32, #tpu.memory_space<vmem>>, vector<1x1x16xf32>,
        %get3A_459 = vector.shape_cast %get3A_458 : vector<1x1x16xf32> to vector<16xf32>
        %add3A_460 = arith.addf %add3A_430, %get3A_459 : vector<16xf32>
        %get3A_461 = arith.constant 2 : i32
        %get3A_462 = arith.index_cast %get3A_461 : i32 to index
        %get3A_463 = arith.index_cast %add3A_453 : i32 to index
        %get3A_464 = arith.constant 16 : index
        %get3A_465 = tpu.vector_load %arg6[%get3A_462, %get3A_463, %get3A_464] {strides = array<i32>} : memref<4x200x64xf32, #tpu.memory_space<vmem>>, vector<1x1x16xf32>,
        %get3A_466 = vector.shape_cast %get3A_465 : vector<1x1x16xf32> to vector<16xf32>
        %add3A_467 = arith.addf %add3A_437, %get3A_466 : vector<16xf32>
        %get3A_468 = arith.constant 2 : i32
        %get3A_469 = arith.index_cast %get3A_468 : i32 to index
        %get3A_470 = arith.index_cast %add3A_453 : i32 to index
        %get3A_471 = arith.constant 32 : index
        %get3A_472 = tpu.vector_load %arg6[%get3A_469, %get3A_470, %get3A_471] {strides = array<i32>} : memref<4x200x64xf32, #tpu.memory_space<vmem>>, vector<1x1x16xf32>,
        %get3A_473 = vector.shape_cast %get3A_472 : vector<1x1x16xf32> to vector<16xf32>
        %add3A_474 = arith.addf %add3A_444, %get3A_473 : vector<16xf32>
        %get3A_475 = arith.constant 2 : i32
        %get3A_476 = arith.index_cast %get3A_475 : i32 to index
        %get3A_477 = arith.index_cast %add3A_453 : i32 to index
        %get3A_478 = arith.constant 48 : index
        %get3A_479 = tpu.vector_load %arg6[%get3A_476, %get3A_477, %get3A_478] {strides = array<i32>} : memref<4x200x64xf32, #tpu.memory_space<vmem>>, vector<1x1x16xf32>,
        %get3A_480 = vector.shape_cast %get3A_479 : vector<1x1x16xf32> to vector<16xf32>
        %add3A_481 = arith.addf %add3A_451, %get3A_480 : vector<16xf32>
        %add3A_482 = arith.constant 5 : i32
        %add3A_483 = arith.addi %mul3A_332, %add3A_482 : i32
        %get3A_484 = arith.constant 2 : i32
        %get3A_485 = arith.index_cast %get3A_484 : i32 to index
        %get3A_486 = arith.index_cast %add3A_483 : i32 to index
        %get3A_487 = arith.constant 0 : index
        %get3A_488 = tpu.vector_load %arg6[%get3A_485, %get3A_486, %get3A_487] {strides = array<i32>} : memref<4x200x64xf32, #tpu.memory_space<vmem>>, vector<1x1x16xf32>,
        %get3A_489 = vector.shape_cast %get3A_488 : vector<1x1x16xf32> to vector<16xf32>
        %add3A_490 = arith.addf %add3A_460, %get3A_489 : vector<16xf32>
        %get3A_491 = arith.constant 2 : i32
        %get3A_492 = arith.index_cast %get3A_491 : i32 to index
        %get3A_493 = arith.index_cast %add3A_483 : i32 to index
        %get3A_494 = arith.constant 16 : index
        %get3A_495 = tpu.vector_load %arg6[%get3A_492, %get3A_493, %get3A_494] {strides = array<i32>} : memref<4x200x64xf32, #tpu.memory_space<vmem>>, vector<1x1x16xf32>,
        %get3A_496 = vector.shape_cast %get3A_495 : vector<1x1x16xf32> to vector<16xf32>
        %add3A_497 = arith.addf %add3A_467, %get3A_496 : vector<16xf32>
        %get3A_498 = arith.constant 2 : i32
        %get3A_499 = arith.index_cast %get3A_498 : i32 to index
        %get3A_500 = arith.index_cast %add3A_483 : i32 to index
        %get3A_501 = arith.constant 32 : index
        %get3A_502 = tpu.vector_load %arg6[%get3A_499, %get3A_500, %get3A_501] {strides = array<i32>} : memref<4x200x64xf32, #tpu.memory_space<vmem>>, vector<1x1x16xf32>,
        %get3A_503 = vector.shape_cast %get3A_502 : vector<1x1x16xf32> to vector<16xf32>
        %add3A_504 = arith.addf %add3A_474, %get3A_503 : vector<16xf32>
        %get3A_505 = arith.constant 2 : i32
        %get3A_506 = arith.index_cast %get3A_505 : i32 to index
        %get3A_507 = arith.index_cast %add3A_483 : i32 to index
        %get3A_508 = arith.constant 48 : index
        %get3A_509 = tpu.vector_load %arg6[%get3A_506, %get3A_507, %get3A_508] {strides = array<i32>} : memref<4x200x64xf32, #tpu.memory_space<vmem>>, vector<1x1x16xf32>,
        %get3A_510 = vector.shape_cast %get3A_509 : vector<1x1x16xf32> to vector<16xf32>
        %add3A_511 = arith.addf %add3A_481, %get3A_510 : vector<16xf32>
        %add3A_512 = arith.constant 6 : i32
        %add3A_513 = arith.addi %mul3A_332, %add3A_512 : i32
        %get3A_514 = arith.constant 2 : i32
        %get3A_515 = arith.index_cast %get3A_514 : i32 to index
        %get3A_516 = arith.index_cast %add3A_513 : i32 to index
        %get3A_517 = arith.constant 0 : index
        %get3A_518 = tpu.vector_load %arg6[%get3A_515, %get3A_516, %get3A_517] {strides = array<i32>} : memref<4x200x64xf32, #tpu.memory_space<vmem>>, vector<1x1x16xf32>,
        %get3A_519 = vector.shape_cast %get3A_518 : vector<1x1x16xf32> to vector<16xf32>
        %add3A_520 = arith.addf %add3A_490, %get3A_519 : vector<16xf32>
        %get3A_521 = arith.constant 2 : i32
        %get3A_522 = arith.index_cast %get3A_521 : i32 to index
        %get3A_523 = arith.index_cast %add3A_513 : i32 to index
        %get3A_524 = arith.constant 16 : index
        %get3A_525 = tpu.vector_load %arg6[%get3A_522, %get3A_523, %get3A_524] {strides = array<i32>} : memref<4x200x64xf32, #tpu.memory_space<vmem>>, vector<1x1x16xf32>,
        %get3A_526 = vector.shape_cast %get3A_525 : vector<1x1x16xf32> to vector<16xf32>
        %add3A_527 = arith.addf %add3A_497, %get3A_526 : vector<16xf32>
        %get3A_528 = arith.constant 2 : i32
        %get3A_529 = arith.index_cast %get3A_528 : i32 to index
        %get3A_530 = arith.index_cast %add3A_513 : i32 to index
        %get3A_531 = arith.constant 32 : index
        %get3A_532 = tpu.vector_load %arg6[%get3A_529, %get3A_530, %get3A_531] {strides = array<i32>} : memref<4x200x64xf32, #tpu.memory_space<vmem>>, vector<1x1x16xf32>,
        %get3A_533 = vector.shape_cast %get3A_532 : vector<1x1x16xf32> to vector<16xf32>
        %add3A_534 = arith.addf %add3A_504, %get3A_533 : vector<16xf32>
        %get3A_535 = arith.constant 2 : i32
        %get3A_536 = arith.index_cast %get3A_535 : i32 to index
        %get3A_537 = arith.index_cast %add3A_513 : i32 to index
        %get3A_538 = arith.constant 48 : index
        %get3A_539 = tpu.vector_load %arg6[%get3A_536, %get3A_537, %get3A_538] {strides = array<i32>} : memref<4x200x64xf32, #tpu.memory_space<vmem>>, vector<1x1x16xf32>,
        %get3A_540 = vector.shape_cast %get3A_539 : vector<1x1x16xf32> to vector<16xf32>
        %add3A_541 = arith.addf %add3A_511, %get3A_540 : vector<16xf32>
        %add3A_542 = arith.constant 7 : i32
        %add3A_543 = arith.addi %mul3A_332, %add3A_542 : i32
        %get3A_544 = arith.constant 2 : i32
        %get3A_545 = arith.index_cast %get3A_544 : i32 to index
        %get3A_546 = arith.index_cast %add3A_543 : i32 to index
        %get3A_547 = arith.constant 0 : index
        %get3A_548 = tpu.vector_load %arg6[%get3A_545, %get3A_546, %get3A_547] {strides = array<i32>} : memref<4x200x64xf32, #tpu.memory_space<vmem>>, vector<1x1x16xf32>,
        %get3A_549 = vector.shape_cast %get3A_548 : vector<1x1x16xf32> to vector<16xf32>
        %add3A_550 = arith.addf %add3A_520, %get3A_549 : vector<16xf32>
        %get3A_551 = arith.constant 2 : i32
        %get3A_552 = arith.index_cast %get3A_551 : i32 to index
        %get3A_553 = arith.index_cast %add3A_543 : i32 to index
        %get3A_554 = arith.constant 16 : index
        %get3A_555 = tpu.vector_load %arg6[%get3A_552, %get3A_553, %get3A_554] {strides = array<i32>} : memref<4x200x64xf32, #tpu.memory_space<vmem>>, vector<1x1x16xf32>,
        %get3A_556 = vector.shape_cast %get3A_555 : vector<1x1x16xf32> to vector<16xf32>
        %add3A_557 = arith.addf %add3A_527, %get3A_556 : vector<16xf32>
        %get3A_558 = arith.constant 2 : i32
        %get3A_559 = arith.index_cast %get3A_558 : i32 to index
        %get3A_560 = arith.index_cast %add3A_543 : i32 to index
        %get3A_561 = arith.constant 32 : index
        %get3A_562 = tpu.vector_load %arg6[%get3A_559, %get3A_560, %get3A_561] {strides = array<i32>} : memref<4x200x64xf32, #tpu.memory_space<vmem>>, vector<1x1x16xf32>,
        %get3A_563 = vector.shape_cast %get3A_562 : vector<1x1x16xf32> to vector<16xf32>
        %add3A_564 = arith.addf %add3A_534, %get3A_563 : vector<16xf32>
        %get3A_565 = arith.constant 2 : i32
        %get3A_566 = arith.index_cast %get3A_565 : i32 to index
        %get3A_567 = arith.index_cast %add3A_543 : i32 to index
        %get3A_568 = arith.constant 48 : index
        %get3A_569 = tpu.vector_load %arg6[%get3A_566, %get3A_567, %get3A_568] {strides = array<i32>} : memref<4x200x64xf32, #tpu.memory_space<vmem>>, vector<1x1x16xf32>,
        %get3A_570 = vector.shape_cast %get3A_569 : vector<1x1x16xf32> to vector<16xf32>
        %add3A_571 = arith.addf %add3A_541, %get3A_570 : vector<16xf32>
        scf.yield %add3A_550, %add3A_557, %add3A_564, %add3A_571 : vector<16xf32>, vector<16xf32>, vector<16xf32>, vector<16xf32>
      }
      %scan3A_242 = arith.constant 25 : i32
      %swap3A_243 = arith.index_cast %add3A_203 : i32 to index
      %swap3A_244 = arith.constant 0 : index
      %swap3A_245 = tpu.vector_load %arg7[%swap3A_243, %swap3A_244] {strides = array<i32>} : memref<128x64xf32, #tpu.memory_space<vmem>>, vector<1x16xf32>,
      %swap3A_246 = vector.shape_cast %swap3A_245 : vector<1x16xf32> to vector<16xf32>
      %swap3A_247 = vector.shape_cast %scan3A_241#0 : vector<16xf32> to vector<1x16xf32>
      tpu.vector_store %arg7[%swap3A_243, %swap3A_244], %swap3A_247 {strides = array<i32>} : memref<128x64xf32, #tpu.memory_space<vmem>>, vector<1x16xf32>,
      %swap3A_248 = arith.index_cast %add3A_203 : i32 to index
      %swap3A_249 = arith.constant 16 : index
      %swap3A_250 = tpu.vector_load %arg7[%swap3A_248, %swap3A_249] {strides = array<i32>} : memref<128x64xf32, #tpu.memory_space<vmem>>, vector<1x16xf32>,
      %swap3A_251 = vector.shape_cast %swap3A_250 : vector<1x16xf32> to vector<16xf32>
      %swap3A_252 = vector.shape_cast %scan3A_241#1 : vector<16xf32> to vector<1x16xf32>
      tpu.vector_store %arg7[%swap3A_248, %swap3A_249], %swap3A_252 {strides = array<i32>} : memref<128x64xf32, #tpu.memory_space<vmem>>, vector<1x16xf32>,
      %swap3A_253 = arith.index_cast %add3A_203 : i32 to index
      %swap3A_254 = arith.constant 32 : index
      %swap3A_255 = tpu.vector_load %arg7[%swap3A_253, %swap3A_254] {strides = array<i32>} : memref<128x64xf32, #tpu.memory_space<vmem>>, vector<1x16xf32>,
      %swap3A_256 = vector.shape_cast %swap3A_255 : vector<1x16xf32> to vector<16xf32>
      %swap3A_257 = vector.shape_cast %scan3A_241#2 : vector<16xf32> to vector<1x16xf32>
      tpu.vector_store %arg7[%swap3A_253, %swap3A_254], %swap3A_257 {strides = array<i32>} : memref<128x64xf32, #tpu.memory_space<vmem>>, vector<1x16xf32>,
      %swap3A_258 = arith.index_cast %add3A_203 : i32 to index
      %swap3A_259 = arith.constant 48 : index
      %swap3A_260 = tpu.vector_load %arg7[%swap3A_258, %swap3A_259] {strides = array<i32>} : memref<128x64xf32, #tpu.memory_space<vmem>>, vector<1x16xf32>,
      %swap3A_261 = vector.shape_cast %swap3A_260 : vector<1x16xf32> to vector<16xf32>
      %swap3A_262 = vector.shape_cast %scan3A_241#3 : vector<16xf32> to vector<1x16xf32>
      tpu.vector_store %arg7[%swap3A_258, %swap3A_259], %swap3A_262 {strides = array<i32>} : memref<128x64xf32, #tpu.memory_space<vmem>>, vector<1x16xf32>,
      %mul3A_263 = arith.constant 4 : i32
      %mul3A_264 = arith.muli %scan3A_79, %mul3A_263 : i32
      %add3A_265 = arith.constant 3 : i32
      %add3A_266 = arith.addi %mul3A_264, %add3A_265 : i32
      %dma_wait3A_267 = arith.constant 0 : i32
      %dma_wait3A_268 = arith.constant 3 : i32
      %dma_wait3A_269 = arith.constant 0 : i32
      %dma_wait3A_270 = arith.constant 0 : i32
      %dma_wait3A_271 = tpu.memref_slice %arg6[%dma_wait3A_268, %dma_wait3A_269, %dma_wait3A_270] : memref<4x200x64xf32, #tpu.memory_space<vmem>> -> memref<1x104x64xf32, #tpu.memory_space<vmem>>
      %dma_wait3A_272 = tpu.memref_squeeze %dma_wait3A_271 : memref<1x104x64xf32, #tpu.memory_space<vmem>> -> memref<104x64xf32, #tpu.memory_space<vmem>>
      %dma_wait3A_273 = arith.constant 0 : i32
      %dma_wait3A_274 = tpu.memref_slice %arg5[%dma_wait3A_267, %dma_wait3A_273] : memref<128x200xi32, #tpu.memory_space<vmem>> -> memref<1x104xi32, #tpu.memory_space<vmem>>
      %dma_wait3A_275 = tpu.memref_squeeze %dma_wait3A_274 : memref<1x104xi32, #tpu.memory_space<vmem>> -> memref<104xi32, #tpu.memory_space<vmem>>
      %dma_wait3A_276 = arith.constant 0 : i32
      %dma_wait3A_277 = arith.constant 0 : i32
      %dma_wait3A_278 = tpu.memref_slice %arg3[%dma_wait3A_276, %dma_wait3A_277] : memref<200000x64xf32, #tpu.memory_space<hbm>> -> memref<200000x64xf32, #tpu.memory_space<hbm>>
      tpu.wait_indirect_dma semaphore(%arg11 : memref<!tpu.dma_semaphore, #tpu.memory_space<semaphore_mem>>) src(%dma_wait3A_278 : memref<200000x64xf32, #tpu.memory_space<hbm>>) dst(%dma_wait3A_272 : memref<104x64xf32, #tpu.memory_space<vmem>>)
      %dma_wait3A_279 = arith.constant 0 : i32
      %dma_wait3A_280 = arith.constant 3 : i32
      %dma_wait3A_281 = arith.constant 104 : i32
      %dma_wait3A_282 = arith.constant 0 : i32
      %dma_wait3A_283 = tpu.memref_slice %arg6[%dma_wait3A_280, %dma_wait3A_281, %dma_wait3A_282] : memref<4x200x64xf32, #tpu.memory_space<vmem>> -> memref<1x96x64xf32, #tpu.memory_space<vmem>>
      %dma_wait3A_284 = tpu.memref_squeeze %dma_wait3A_283 : memref<1x96x64xf32, #tpu.memory_space<vmem>> -> memref<96x64xf32, #tpu.memory_space<vmem>>
      %dma_wait3A_285 = arith.constant 104 : i32
      %dma_wait3A_286 = tpu.memref_slice %arg5[%dma_wait3A_279, %dma_wait3A_285] : memref<128x200xi32, #tpu.memory_space<vmem>> -> memref<1x96xi32, #tpu.memory_space<vmem>>
      %dma_wait3A_287 = tpu.memref_squeeze %dma_wait3A_286 : memref<1x96xi32, #tpu.memory_space<vmem>> -> memref<96xi32, #tpu.memory_space<vmem>>
      %dma_wait3A_288 = arith.constant 0 : i32
      %dma_wait3A_289 = arith.constant 0 : i32
      %dma_wait3A_290 = tpu.memref_slice %arg3[%dma_wait3A_288, %dma_wait3A_289] : memref<200000x64xf32, #tpu.memory_space<hbm>> -> memref<200000x64xf32, #tpu.memory_space<hbm>>
      tpu.wait_indirect_dma semaphore(%arg11 : memref<!tpu.dma_semaphore, #tpu.memory_space<semaphore_mem>>) src(%dma_wait3A_290 : memref<200000x64xf32, #tpu.memory_space<hbm>>) dst(%dma_wait3A_284 : memref<96x64xf32, #tpu.memory_space<vmem>>)
      %add3A_291 = arith.constant 3 : i32
      %add3A_292 = arith.addi %add3A_266, %add3A_291 : i32
      %lt3A_293 = arith.constant 128 : i32
      %lt3A_294 = arith.cmpi slt, %add3A_292, %lt3A_293 : i32
      %convert_element_type3A_295 = arith.extui %lt3A_294 : i1 to i32
      %cond3A_296 = arith.constant 0 : i32
      %cond3A_297 = arith.cmpi ne, %convert_element_type3A_295, %cond3A_296 : i32
      scf.if %cond3A_297 {
        %dma_start3A_326 = arith.constant 2 : i32
        %dma_start3A_327 = arith.constant 0 : i32
        %dma_start3A_328 = arith.constant 0 : i32
        %dma_start3A_329 = tpu.memref_slice %arg6[%dma_start3A_326, %dma_start3A_327, %dma_start3A_328] : memref<4x200x64xf32, #tpu.memory_space<vmem>> -> memref<1x104x64xf32, #tpu.memory_space<vmem>>
        %dma_start3A_330 = tpu.memref_squeeze %dma_start3A_329 : memref<1x104x64xf32, #tpu.memory_space<vmem>> -> memref<104x64xf32, #tpu.memory_space<vmem>>
        %dma_start3A_331 = arith.constant 0 : i32
        %dma_start3A_332 = tpu.memref_slice %arg5[%add3A_292, %dma_start3A_331] : memref<128x200xi32, #tpu.memory_space<vmem>> -> memref<1x104xi32, #tpu.memory_space<vmem>>
        %dma_start3A_333 = tpu.memref_squeeze %dma_start3A_332 : memref<1x104xi32, #tpu.memory_space<vmem>> -> memref<104xi32, #tpu.memory_space<vmem>>
        %dma_start3A_334 = arith.constant 0 : i32
        %dma_start3A_335 = arith.constant 0 : i32
        %dma_start3A_336 = tpu.memref_slice %arg3[%dma_start3A_334, %dma_start3A_335] : memref<200000x64xf32, #tpu.memory_space<hbm>> -> memref<200000x64xf32, #tpu.memory_space<hbm>>
        tpu.enqueue_indirect_dma source(%dma_start3A_336 : memref<200000x64xf32, #tpu.memory_space<hbm>>) target(%dma_start3A_330 : memref<104x64xf32, #tpu.memory_space<vmem>>) offsets(%dma_start3A_333 : memref<104xi32, #tpu.memory_space<vmem>>) semaphore(%arg10 : memref<!tpu.dma_semaphore, #tpu.memory_space<semaphore_mem>>)
        %dma_start3A_337 = arith.constant 2 : i32
        %dma_start3A_338 = arith.constant 104 : i32
        %dma_start3A_339 = arith.constant 0 : i32
        %dma_start3A_340 = tpu.memref_slice %arg6[%dma_start3A_337, %dma_start3A_338, %dma_start3A_339] : memref<4x200x64xf32, #tpu.memory_space<vmem>> -> memref<1x96x64xf32, #tpu.memory_space<vmem>>
        %dma_start3A_341 = tpu.memref_squeeze %dma_start3A_340 : memref<1x96x64xf32, #tpu.memory_space<vmem>> -> memref<96x64xf32, #tpu.memory_space<vmem>>
        %dma_start3A_342 = arith.constant 104 : i32
        %dma_start3A_343 = tpu.memref_slice %arg5[%add3A_292, %dma_start3A_342] : memref<128x200xi32, #tpu.memory_space<vmem>> -> memref<1x96xi32, #tpu.memory_space<vmem>>
        %dma_start3A_344 = tpu.memref_squeeze %dma_start3A_343 : memref<1x96xi32, #tpu.memory_space<vmem>> -> memref<96xi32, #tpu.memory_space<vmem>>
        %dma_start3A_345 = arith.constant 0 : i32
        %dma_start3A_346 = arith.constant 0 : i32
        %dma_start3A_347 = tpu.memref_slice %arg3[%dma_start3A_345, %dma_start3A_346] : memref<200000x64xf32, #tpu.memory_space<hbm>> -> memref<200000x64xf32, #tpu.memory_space<hbm>>
        tpu.enqueue_indirect_dma source(%dma_start3A_347 : memref<200000x64xf32, #tpu.memory_space<hbm>>) target(%dma_start3A_341 : memref<96x64xf32, #tpu.memory_space<vmem>>) offsets(%dma_start3A_344 : memref<96xi32, #tpu.memory_space<vmem>>) semaphore(%arg10 : memref<!tpu.dma_semaphore, #tpu.memory_space<semaphore_mem>>)
      } else {
      }
      %broadcast_in_dim3A_298 = arith.constant 0.000000e+00 : f32
      %broadcast_in_dim3A_299 = vector.broadcast %broadcast_in_dim3A_298 : f32 to vector<16xf32>
      %scan3A_300 = arith.constant 0 : i32
      %scan3A_301 = arith.constant 25 : i32
      %scan3A_302 = arith.addi %scan3A_300, %scan3A_301 : i32
      %scan3A_303 = arith.constant 1 : i32
      %scan3A_304:4 = scf.for %scan3A_326 = %scan3A_300 to %scan3A_302 step %scan3A_303 iter_args(%scan3A_327 = %broadcast_in_dim3A_299, %scan3A_328 = %broadcast_in_dim3A_299, %scan3A_329 = %broadcast_in_dim3A_299, %scan3A_330 = %broadcast_in_dim3A_299) -> (vector<16xf32>, vector<16xf32>, vector<16xf32>, vector<16xf32>)  : i32 {
        %mul3A_331 = arith.constant 8 : i32
        %mul3A_332 = arith.muli %scan3A_326, %mul3A_331 : i32
        %add3A_333 = arith.constant 0 : i32
        %add3A_334 = arith.addi %mul3A_332, %add3A_333 : i32
        %get3A = arith.constant 3 : i32
        %get3A_335 = arith.index_cast %get3A : i32 to index
        %get3A_336 = arith.index_cast %add3A_334 : i32 to index
        %get3A_337 = arith.constant 0 : index
        %get3A_338 = tpu.vector_load %arg6[%get3A_335, %get3A_336, %get3A_337] {strides = array<i32>} : memref<4x200x64xf32, #tpu.memory_space<vmem>>, vector<1x1x16xf32>,
        %get3A_339 = vector.shape_cast %get3A_338 : vector<1x1x16xf32> to vector<16xf32>
        %add3A_340 = arith.addf %scan3A_327, %get3A_339 : vector<16xf32>
        %get3A_341 = arith.constant 3 : i32
        %get3A_342 = arith.index_cast %get3A_341 : i32 to index
        %get3A_343 = arith.index_cast %add3A_334 : i32 to index
        %get3A_344 = arith.constant 16 : index
        %get3A_345 = tpu.vector_load %arg6[%get3A_342, %get3A_343, %get3A_344] {strides = array<i32>} : memref<4x200x64xf32, #tpu.memory_space<vmem>>, vector<1x1x16xf32>,
        %get3A_346 = vector.shape_cast %get3A_345 : vector<1x1x16xf32> to vector<16xf32>
        %add3A_347 = arith.addf %scan3A_328, %get3A_346 : vector<16xf32>
        %get3A_348 = arith.constant 3 : i32
        %get3A_349 = arith.index_cast %get3A_348 : i32 to index
        %get3A_350 = arith.index_cast %add3A_334 : i32 to index
        %get3A_351 = arith.constant 32 : index
        %get3A_352 = tpu.vector_load %arg6[%get3A_349, %get3A_350, %get3A_351] {strides = array<i32>} : memref<4x200x64xf32, #tpu.memory_space<vmem>>, vector<1x1x16xf32>,
        %get3A_353 = vector.shape_cast %get3A_352 : vector<1x1x16xf32> to vector<16xf32>
        %add3A_354 = arith.addf %scan3A_329, %get3A_353 : vector<16xf32>
        %get3A_355 = arith.constant 3 : i32
        %get3A_356 = arith.index_cast %get3A_355 : i32 to index
        %get3A_357 = arith.index_cast %add3A_334 : i32 to index
        %get3A_358 = arith.constant 48 : index
        %get3A_359 = tpu.vector_load %arg6[%get3A_356, %get3A_357, %get3A_358] {strides = array<i32>} : memref<4x200x64xf32, #tpu.memory_space<vmem>>, vector<1x1x16xf32>,
        %get3A_360 = vector.shape_cast %get3A_359 : vector<1x1x16xf32> to vector<16xf32>
        %add3A_361 = arith.addf %scan3A_330, %get3A_360 : vector<16xf32>
        %add3A_362 = arith.constant 1 : i32
        %add3A_363 = arith.addi %mul3A_332, %add3A_362 : i32
        %get3A_364 = arith.constant 3 : i32
        %get3A_365 = arith.index_cast %get3A_364 : i32 to index
        %get3A_366 = arith.index_cast %add3A_363 : i32 to index
        %get3A_367 = arith.constant 0 : index
        %get3A_368 = tpu.vector_load %arg6[%get3A_365, %get3A_366, %get3A_367] {strides = array<i32>} : memref<4x200x64xf32, #tpu.memory_space<vmem>>, vector<1x1x16xf32>,
        %get3A_369 = vector.shape_cast %get3A_368 : vector<1x1x16xf32> to vector<16xf32>
        %add3A_370 = arith.addf %add3A_340, %get3A_369 : vector<16xf32>
        %get3A_371 = arith.constant 3 : i32
        %get3A_372 = arith.index_cast %get3A_371 : i32 to index
        %get3A_373 = arith.index_cast %add3A_363 : i32 to index
        %get3A_374 = arith.constant 16 : index
        %get3A_375 = tpu.vector_load %arg6[%get3A_372, %get3A_373, %get3A_374] {strides = array<i32>} : memref<4x200x64xf32, #tpu.memory_space<vmem>>, vector<1x1x16xf32>,
        %get3A_376 = vector.shape_cast %get3A_375 : vector<1x1x16xf32> to vector<16xf32>
        %add3A_377 = arith.addf %add3A_347, %get3A_376 : vector<16xf32>
        %get3A_378 = arith.constant 3 : i32
        %get3A_379 = arith.index_cast %get3A_378 : i32 to index
        %get3A_380 = arith.index_cast %add3A_363 : i32 to index
        %get3A_381 = arith.constant 32 : index
        %get3A_382 = tpu.vector_load %arg6[%get3A_379, %get3A_380, %get3A_381] {strides = array<i32>} : memref<4x200x64xf32, #tpu.memory_space<vmem>>, vector<1x1x16xf32>,
        %get3A_383 = vector.shape_cast %get3A_382 : vector<1x1x16xf32> to vector<16xf32>
        %add3A_384 = arith.addf %add3A_354, %get3A_383 : vector<16xf32>
        %get3A_385 = arith.constant 3 : i32
        %get3A_386 = arith.index_cast %get3A_385 : i32 to index
        %get3A_387 = arith.index_cast %add3A_363 : i32 to index
        %get3A_388 = arith.constant 48 : index
        %get3A_389 = tpu.vector_load %arg6[%get3A_386, %get3A_387, %get3A_388] {strides = array<i32>} : memref<4x200x64xf32, #tpu.memory_space<vmem>>, vector<1x1x16xf32>,
        %get3A_390 = vector.shape_cast %get3A_389 : vector<1x1x16xf32> to vector<16xf32>
        %add3A_391 = arith.addf %add3A_361, %get3A_390 : vector<16xf32>
        %add3A_392 = arith.constant 2 : i32
        %add3A_393 = arith.addi %mul3A_332, %add3A_392 : i32
        %get3A_394 = arith.constant 3 : i32
        %get3A_395 = arith.index_cast %get3A_394 : i32 to index
        %get3A_396 = arith.index_cast %add3A_393 : i32 to index
        %get3A_397 = arith.constant 0 : index
        %get3A_398 = tpu.vector_load %arg6[%get3A_395, %get3A_396, %get3A_397] {strides = array<i32>} : memref<4x200x64xf32, #tpu.memory_space<vmem>>, vector<1x1x16xf32>,
        %get3A_399 = vector.shape_cast %get3A_398 : vector<1x1x16xf32> to vector<16xf32>
        %add3A_400 = arith.addf %add3A_370, %get3A_399 : vector<16xf32>
        %get3A_401 = arith.constant 3 : i32
        %get3A_402 = arith.index_cast %get3A_401 : i32 to index
        %get3A_403 = arith.index_cast %add3A_393 : i32 to index
        %get3A_404 = arith.constant 16 : index
        %get3A_405 = tpu.vector_load %arg6[%get3A_402, %get3A_403, %get3A_404] {strides = array<i32>} : memref<4x200x64xf32, #tpu.memory_space<vmem>>, vector<1x1x16xf32>,
        %get3A_406 = vector.shape_cast %get3A_405 : vector<1x1x16xf32> to vector<16xf32>
        %add3A_407 = arith.addf %add3A_377, %get3A_406 : vector<16xf32>
        %get3A_408 = arith.constant 3 : i32
        %get3A_409 = arith.index_cast %get3A_408 : i32 to index
        %get3A_410 = arith.index_cast %add3A_393 : i32 to index
        %get3A_411 = arith.constant 32 : index
        %get3A_412 = tpu.vector_load %arg6[%get3A_409, %get3A_410, %get3A_411] {strides = array<i32>} : memref<4x200x64xf32, #tpu.memory_space<vmem>>, vector<1x1x16xf32>,
        %get3A_413 = vector.shape_cast %get3A_412 : vector<1x1x16xf32> to vector<16xf32>
        %add3A_414 = arith.addf %add3A_384, %get3A_413 : vector<16xf32>
        %get3A_415 = arith.constant 3 : i32
        %get3A_416 = arith.index_cast %get3A_415 : i32 to index
        %get3A_417 = arith.index_cast %add3A_393 : i32 to index
        %get3A_418 = arith.constant 48 : index
        %get3A_419 = tpu.vector_load %arg6[%get3A_416, %get3A_417, %get3A_418] {strides = array<i32>} : memref<4x200x64xf32, #tpu.memory_space<vmem>>, vector<1x1x16xf32>,
        %get3A_420 = vector.shape_cast %get3A_419 : vector<1x1x16xf32> to vector<16xf32>
        %add3A_421 = arith.addf %add3A_391, %get3A_420 : vector<16xf32>
        %add3A_422 = arith.constant 3 : i32
        %add3A_423 = arith.addi %mul3A_332, %add3A_422 : i32
        %get3A_424 = arith.constant 3 : i32
        %get3A_425 = arith.index_cast %get3A_424 : i32 to index
        %get3A_426 = arith.index_cast %add3A_423 : i32 to index
        %get3A_427 = arith.constant 0 : index
        %get3A_428 = tpu.vector_load %arg6[%get3A_425, %get3A_426, %get3A_427] {strides = array<i32>} : memref<4x200x64xf32, #tpu.memory_space<vmem>>, vector<1x1x16xf32>,
        %get3A_429 = vector.shape_cast %get3A_428 : vector<1x1x16xf32> to vector<16xf32>
        %add3A_430 = arith.addf %add3A_400, %get3A_429 : vector<16xf32>
        %get3A_431 = arith.constant 3 : i32
        %get3A_432 = arith.index_cast %get3A_431 : i32 to index
        %get3A_433 = arith.index_cast %add3A_423 : i32 to index
        %get3A_434 = arith.constant 16 : index
        %get3A_435 = tpu.vector_load %arg6[%get3A_432, %get3A_433, %get3A_434] {strides = array<i32>} : memref<4x200x64xf32, #tpu.memory_space<vmem>>, vector<1x1x16xf32>,
        %get3A_436 = vector.shape_cast %get3A_435 : vector<1x1x16xf32> to vector<16xf32>
        %add3A_437 = arith.addf %add3A_407, %get3A_436 : vector<16xf32>
        %get3A_438 = arith.constant 3 : i32
        %get3A_439 = arith.index_cast %get3A_438 : i32 to index
        %get3A_440 = arith.index_cast %add3A_423 : i32 to index
        %get3A_441 = arith.constant 32 : index
        %get3A_442 = tpu.vector_load %arg6[%get3A_439, %get3A_440, %get3A_441] {strides = array<i32>} : memref<4x200x64xf32, #tpu.memory_space<vmem>>, vector<1x1x16xf32>,
        %get3A_443 = vector.shape_cast %get3A_442 : vector<1x1x16xf32> to vector<16xf32>
        %add3A_444 = arith.addf %add3A_414, %get3A_443 : vector<16xf32>
        %get3A_445 = arith.constant 3 : i32
        %get3A_446 = arith.index_cast %get3A_445 : i32 to index
        %get3A_447 = arith.index_cast %add3A_423 : i32 to index
        %get3A_448 = arith.constant 48 : index
        %get3A_449 = tpu.vector_load %arg6[%get3A_446, %get3A_447, %get3A_448] {strides = array<i32>} : memref<4x200x64xf32, #tpu.memory_space<vmem>>, vector<1x1x16xf32>,
        %get3A_450 = vector.shape_cast %get3A_449 : vector<1x1x16xf32> to vector<16xf32>
        %add3A_451 = arith.addf %add3A_421, %get3A_450 : vector<16xf32>
        %add3A_452 = arith.constant 4 : i32
        %add3A_453 = arith.addi %mul3A_332, %add3A_452 : i32
        %get3A_454 = arith.constant 3 : i32
        %get3A_455 = arith.index_cast %get3A_454 : i32 to index
        %get3A_456 = arith.index_cast %add3A_453 : i32 to index
        %get3A_457 = arith.constant 0 : index
        %get3A_458 = tpu.vector_load %arg6[%get3A_455, %get3A_456, %get3A_457] {strides = array<i32>} : memref<4x200x64xf32, #tpu.memory_space<vmem>>, vector<1x1x16xf32>,
        %get3A_459 = vector.shape_cast %get3A_458 : vector<1x1x16xf32> to vector<16xf32>
        %add3A_460 = arith.addf %add3A_430, %get3A_459 : vector<16xf32>
        %get3A_461 = arith.constant 3 : i32
        %get3A_462 = arith.index_cast %get3A_461 : i32 to index
        %get3A_463 = arith.index_cast %add3A_453 : i32 to index
        %get3A_464 = arith.constant 16 : index
        %get3A_465 = tpu.vector_load %arg6[%get3A_462, %get3A_463, %get3A_464] {strides = array<i32>} : memref<4x200x64xf32, #tpu.memory_space<vmem>>, vector<1x1x16xf32>,
        %get3A_466 = vector.shape_cast %get3A_465 : vector<1x1x16xf32> to vector<16xf32>
        %add3A_467 = arith.addf %add3A_437, %get3A_466 : vector<16xf32>
        %get3A_468 = arith.constant 3 : i32
        %get3A_469 = arith.index_cast %get3A_468 : i32 to index
        %get3A_470 = arith.index_cast %add3A_453 : i32 to index
        %get3A_471 = arith.constant 32 : index
        %get3A_472 = tpu.vector_load %arg6[%get3A_469, %get3A_470, %get3A_471] {strides = array<i32>} : memref<4x200x64xf32, #tpu.memory_space<vmem>>, vector<1x1x16xf32>,
        %get3A_473 = vector.shape_cast %get3A_472 : vector<1x1x16xf32> to vector<16xf32>
        %add3A_474 = arith.addf %add3A_444, %get3A_473 : vector<16xf32>
        %get3A_475 = arith.constant 3 : i32
        %get3A_476 = arith.index_cast %get3A_475 : i32 to index
        %get3A_477 = arith.index_cast %add3A_453 : i32 to index
        %get3A_478 = arith.constant 48 : index
        %get3A_479 = tpu.vector_load %arg6[%get3A_476, %get3A_477, %get3A_478] {strides = array<i32>} : memref<4x200x64xf32, #tpu.memory_space<vmem>>, vector<1x1x16xf32>,
        %get3A_480 = vector.shape_cast %get3A_479 : vector<1x1x16xf32> to vector<16xf32>
        %add3A_481 = arith.addf %add3A_451, %get3A_480 : vector<16xf32>
        %add3A_482 = arith.constant 5 : i32
        %add3A_483 = arith.addi %mul3A_332, %add3A_482 : i32
        %get3A_484 = arith.constant 3 : i32
        %get3A_485 = arith.index_cast %get3A_484 : i32 to index
        %get3A_486 = arith.index_cast %add3A_483 : i32 to index
        %get3A_487 = arith.constant 0 : index
        %get3A_488 = tpu.vector_load %arg6[%get3A_485, %get3A_486, %get3A_487] {strides = array<i32>} : memref<4x200x64xf32, #tpu.memory_space<vmem>>, vector<1x1x16xf32>,
        %get3A_489 = vector.shape_cast %get3A_488 : vector<1x1x16xf32> to vector<16xf32>
        %add3A_490 = arith.addf %add3A_460, %get3A_489 : vector<16xf32>
        %get3A_491 = arith.constant 3 : i32
        %get3A_492 = arith.index_cast %get3A_491 : i32 to index
        %get3A_493 = arith.index_cast %add3A_483 : i32 to index
        %get3A_494 = arith.constant 16 : index
        %get3A_495 = tpu.vector_load %arg6[%get3A_492, %get3A_493, %get3A_494] {strides = array<i32>} : memref<4x200x64xf32, #tpu.memory_space<vmem>>, vector<1x1x16xf32>,
        %get3A_496 = vector.shape_cast %get3A_495 : vector<1x1x16xf32> to vector<16xf32>
        %add3A_497 = arith.addf %add3A_467, %get3A_496 : vector<16xf32>
        %get3A_498 = arith.constant 3 : i32
        %get3A_499 = arith.index_cast %get3A_498 : i32 to index
        %get3A_500 = arith.index_cast %add3A_483 : i32 to index
        %get3A_501 = arith.constant 32 : index
        %get3A_502 = tpu.vector_load %arg6[%get3A_499, %get3A_500, %get3A_501] {strides = array<i32>} : memref<4x200x64xf32, #tpu.memory_space<vmem>>, vector<1x1x16xf32>,
        %get3A_503 = vector.shape_cast %get3A_502 : vector<1x1x16xf32> to vector<16xf32>
        %add3A_504 = arith.addf %add3A_474, %get3A_503 : vector<16xf32>
        %get3A_505 = arith.constant 3 : i32
        %get3A_506 = arith.index_cast %get3A_505 : i32 to index
        %get3A_507 = arith.index_cast %add3A_483 : i32 to index
        %get3A_508 = arith.constant 48 : index
        %get3A_509 = tpu.vector_load %arg6[%get3A_506, %get3A_507, %get3A_508] {strides = array<i32>} : memref<4x200x64xf32, #tpu.memory_space<vmem>>, vector<1x1x16xf32>,
        %get3A_510 = vector.shape_cast %get3A_509 : vector<1x1x16xf32> to vector<16xf32>
        %add3A_511 = arith.addf %add3A_481, %get3A_510 : vector<16xf32>
        %add3A_512 = arith.constant 6 : i32
        %add3A_513 = arith.addi %mul3A_332, %add3A_512 : i32
        %get3A_514 = arith.constant 3 : i32
        %get3A_515 = arith.index_cast %get3A_514 : i32 to index
        %get3A_516 = arith.index_cast %add3A_513 : i32 to index
        %get3A_517 = arith.constant 0 : index
        %get3A_518 = tpu.vector_load %arg6[%get3A_515, %get3A_516, %get3A_517] {strides = array<i32>} : memref<4x200x64xf32, #tpu.memory_space<vmem>>, vector<1x1x16xf32>,
        %get3A_519 = vector.shape_cast %get3A_518 : vector<1x1x16xf32> to vector<16xf32>
        %add3A_520 = arith.addf %add3A_490, %get3A_519 : vector<16xf32>
        %get3A_521 = arith.constant 3 : i32
        %get3A_522 = arith.index_cast %get3A_521 : i32 to index
        %get3A_523 = arith.index_cast %add3A_513 : i32 to index
        %get3A_524 = arith.constant 16 : index
        %get3A_525 = tpu.vector_load %arg6[%get3A_522, %get3A_523, %get3A_524] {strides = array<i32>} : memref<4x200x64xf32, #tpu.memory_space<vmem>>, vector<1x1x16xf32>,
        %get3A_526 = vector.shape_cast %get3A_525 : vector<1x1x16xf32> to vector<16xf32>
        %add3A_527 = arith.addf %add3A_497, %get3A_526 : vector<16xf32>
        %get3A_528 = arith.constant 3 : i32
        %get3A_529 = arith.index_cast %get3A_528 : i32 to index
        %get3A_530 = arith.index_cast %add3A_513 : i32 to index
        %get3A_531 = arith.constant 32 : index
        %get3A_532 = tpu.vector_load %arg6[%get3A_529, %get3A_530, %get3A_531] {strides = array<i32>} : memref<4x200x64xf32, #tpu.memory_space<vmem>>, vector<1x1x16xf32>,
        %get3A_533 = vector.shape_cast %get3A_532 : vector<1x1x16xf32> to vector<16xf32>
        %add3A_534 = arith.addf %add3A_504, %get3A_533 : vector<16xf32>
        %get3A_535 = arith.constant 3 : i32
        %get3A_536 = arith.index_cast %get3A_535 : i32 to index
        %get3A_537 = arith.index_cast %add3A_513 : i32 to index
        %get3A_538 = arith.constant 48 : index
        %get3A_539 = tpu.vector_load %arg6[%get3A_536, %get3A_537, %get3A_538] {strides = array<i32>} : memref<4x200x64xf32, #tpu.memory_space<vmem>>, vector<1x1x16xf32>,
        %get3A_540 = vector.shape_cast %get3A_539 : vector<1x1x16xf32> to vector<16xf32>
        %add3A_541 = arith.addf %add3A_511, %get3A_540 : vector<16xf32>
        %add3A_542 = arith.constant 7 : i32
        %add3A_543 = arith.addi %mul3A_332, %add3A_542 : i32
        %get3A_544 = arith.constant 3 : i32
        %get3A_545 = arith.index_cast %get3A_544 : i32 to index
        %get3A_546 = arith.index_cast %add3A_543 : i32 to index
        %get3A_547 = arith.constant 0 : index
        %get3A_548 = tpu.vector_load %arg6[%get3A_545, %get3A_546, %get3A_547] {strides = array<i32>} : memref<4x200x64xf32, #tpu.memory_space<vmem>>, vector<1x1x16xf32>,
        %get3A_549 = vector.shape_cast %get3A_548 : vector<1x1x16xf32> to vector<16xf32>
        %add3A_550 = arith.addf %add3A_520, %get3A_549 : vector<16xf32>
        %get3A_551 = arith.constant 3 : i32
        %get3A_552 = arith.index_cast %get3A_551 : i32 to index
        %get3A_553 = arith.index_cast %add3A_543 : i32 to index
        %get3A_554 = arith.constant 16 : index
        %get3A_555 = tpu.vector_load %arg6[%get3A_552, %get3A_553, %get3A_554] {strides = array<i32>} : memref<4x200x64xf32, #tpu.memory_space<vmem>>, vector<1x1x16xf32>,
        %get3A_556 = vector.shape_cast %get3A_555 : vector<1x1x16xf32> to vector<16xf32>
        %add3A_557 = arith.addf %add3A_527, %get3A_556 : vector<16xf32>
        %get3A_558 = arith.constant 3 : i32
        %get3A_559 = arith.index_cast %get3A_558 : i32 to index
        %get3A_560 = arith.index_cast %add3A_543 : i32 to index
        %get3A_561 = arith.constant 32 : index
        %get3A_562 = tpu.vector_load %arg6[%get3A_559, %get3A_560, %get3A_561] {strides = array<i32>} : memref<4x200x64xf32, #tpu.memory_space<vmem>>, vector<1x1x16xf32>,
        %get3A_563 = vector.shape_cast %get3A_562 : vector<1x1x16xf32> to vector<16xf32>
        %add3A_564 = arith.addf %add3A_534, %get3A_563 : vector<16xf32>
        %get3A_565 = arith.constant 3 : i32
        %get3A_566 = arith.index_cast %get3A_565 : i32 to index
        %get3A_567 = arith.index_cast %add3A_543 : i32 to index
        %get3A_568 = arith.constant 48 : index
        %get3A_569 = tpu.vector_load %arg6[%get3A_566, %get3A_567, %get3A_568] {strides = array<i32>} : memref<4x200x64xf32, #tpu.memory_space<vmem>>, vector<1x1x16xf32>,
        %get3A_570 = vector.shape_cast %get3A_569 : vector<1x1x16xf32> to vector<16xf32>
        %add3A_571 = arith.addf %add3A_541, %get3A_570 : vector<16xf32>
        scf.yield %add3A_550, %add3A_557, %add3A_564, %add3A_571 : vector<16xf32>, vector<16xf32>, vector<16xf32>, vector<16xf32>
      }
      %scan3A_305 = arith.constant 25 : i32
      %swap3A_306 = arith.index_cast %add3A_266 : i32 to index
      %swap3A_307 = arith.constant 0 : index
      %swap3A_308 = tpu.vector_load %arg7[%swap3A_306, %swap3A_307] {strides = array<i32>} : memref<128x64xf32, #tpu.memory_space<vmem>>, vector<1x16xf32>,
      %swap3A_309 = vector.shape_cast %swap3A_308 : vector<1x16xf32> to vector<16xf32>
      %swap3A_310 = vector.shape_cast %scan3A_304#0 : vector<16xf32> to vector<1x16xf32>
      tpu.vector_store %arg7[%swap3A_306, %swap3A_307], %swap3A_310 {strides = array<i32>} : memref<128x64xf32, #tpu.memory_space<vmem>>, vector<1x16xf32>,
      %swap3A_311 = arith.index_cast %add3A_266 : i32 to index
      %swap3A_312 = arith.constant 16 : index
      %swap3A_313 = tpu.vector_load %arg7[%swap3A_311, %swap3A_312] {strides = array<i32>} : memref<128x64xf32, #tpu.memory_space<vmem>>, vector<1x16xf32>,
      %swap3A_314 = vector.shape_cast %swap3A_313 : vector<1x16xf32> to vector<16xf32>
      %swap3A_315 = vector.shape_cast %scan3A_304#1 : vector<16xf32> to vector<1x16xf32>
      tpu.vector_store %arg7[%swap3A_311, %swap3A_312], %swap3A_315 {strides = array<i32>} : memref<128x64xf32, #tpu.memory_space<vmem>>, vector<1x16xf32>,
      %swap3A_316 = arith.index_cast %add3A_266 : i32 to index
      %swap3A_317 = arith.constant 32 : index
      %swap3A_318 = tpu.vector_load %arg7[%swap3A_316, %swap3A_317] {strides = array<i32>} : memref<128x64xf32, #tpu.memory_space<vmem>>, vector<1x16xf32>,
      %swap3A_319 = vector.shape_cast %swap3A_318 : vector<1x16xf32> to vector<16xf32>
      %swap3A_320 = vector.shape_cast %scan3A_304#2 : vector<16xf32> to vector<1x16xf32>
      tpu.vector_store %arg7[%swap3A_316, %swap3A_317], %swap3A_320 {strides = array<i32>} : memref<128x64xf32, #tpu.memory_space<vmem>>, vector<1x16xf32>,
      %swap3A_321 = arith.index_cast %add3A_266 : i32 to index
      %swap3A_322 = arith.constant 48 : index
      %swap3A_323 = tpu.vector_load %arg7[%swap3A_321, %swap3A_322] {strides = array<i32>} : memref<128x64xf32, #tpu.memory_space<vmem>>, vector<1x16xf32>,
      %swap3A_324 = vector.shape_cast %swap3A_323 : vector<1x16xf32> to vector<16xf32>
      %swap3A_325 = vector.shape_cast %scan3A_304#3 : vector<16xf32> to vector<1x16xf32>
      tpu.vector_store %arg7[%swap3A_321, %swap3A_322], %swap3A_325 {strides = array<i32>} : memref<128x64xf32, #tpu.memory_space<vmem>>, vector<1x16xf32>,
    }
    %scan3A_78 = arith.constant 32 : i32
    "tpu.region"() ({
      %run_scoped3A = tpu.sem_alloc : memref<!tpu.dma_semaphore, #tpu.memory_space<semaphore_mem>>
      %dma_start3A_79 = arith.constant 0 : i32
      %dma_start3A_80 = tpu.memref_slice %arg4[%mul3A_2, %dma_start3A_79] : memref<4096x64xf32, #tpu.memory_space<hbm>> -> memref<128x64xf32, #tpu.memory_space<hbm>>
      %dma_start3A_81 = arith.constant 0 : i32
      %dma_start3A_82 = tpu.memref_slice %arg4[%mul3A_2, %dma_start3A_81] : memref<4096x64xf32, #tpu.memory_space<hbm>> -> memref<128x64xf32, #tpu.memory_space<hbm>>
      tpu.enqueue_dma source(%arg7 : memref<128x64xf32, #tpu.memory_space<vmem>>) target(%dma_start3A_82 : memref<128x64xf32, #tpu.memory_space<hbm>>) target_semaphore(%run_scoped3A : memref<!tpu.dma_semaphore, #tpu.memory_space<semaphore_mem>>)
      %dma_wait3A = arith.constant 0 : i32
      %dma_wait3A_83 = tpu.memref_slice %arg4[%mul3A_2, %dma_wait3A] : memref<4096x64xf32, #tpu.memory_space<hbm>> -> memref<128x64xf32, #tpu.memory_space<hbm>>
      %dma_wait3A_84 = arith.constant 0 : i32
      %dma_wait3A_85 = tpu.memref_slice %arg4[%mul3A_2, %dma_wait3A_84] : memref<4096x64xf32, #tpu.memory_space<hbm>> -> memref<128x64xf32, #tpu.memory_space<hbm>>
      tpu.wait_dma2 semaphore(%run_scoped3A : memref<!tpu.dma_semaphore, #tpu.memory_space<semaphore_mem>>) src(%arg7 : memref<128x64xf32, #tpu.memory_space<vmem>>) dst(%dma_wait3A_85 : memref<128x64xf32, #tpu.memory_space<hbm>>)
      tpu.yield
    }) : () -> ()
    return
  }
}

module attributes {stable_mosaic.version = 14 : i64} {
  func.func @_mlp_body(%arg0: memref<4096x64xf32, #tpu.memory_space<vmem>>, %arg1: memref<64x64xf32, #tpu.memory_space<vmem>>, %arg2: memref<1x64xf32, #tpu.memory_space<vmem>>, %arg3: memref<64x128xf32, #tpu.memory_space<vmem>>, %arg4: memref<1x128xf32, #tpu.memory_space<vmem>>, %arg5: memref<4096x2xf32, #tpu.memory_space<vmem>>) attributes {dimension_semantics = [], scalar_prefetch = 0 : i64, scratch_operands = 0 : i64, tpu.core_type = #tpu.core_type<tc>} {
    %get3A = arith.constant 0 : index
    %get3A_0 = arith.constant 0 : index
    %get3A_1 = vector.load %arg0[%get3A, %get3A_0] : memref<4096x64xf32, #tpu.memory_space<vmem>>, vector<4096x64xf32>
    %get3A_2 = arith.constant 0 : index
    %get3A_3 = arith.constant 0 : index
    %get3A_4 = vector.load %arg1[%get3A_2, %get3A_3] : memref<64x64xf32, #tpu.memory_space<vmem>>, vector<64x64xf32>
    %dot_general3A = arith.constant dense<0.000000e+00> : vector<4096x64xf32>
    %dot_general3A_5 = tpu.matmul %get3A_1, %get3A_4, %dot_general3A {dimension_numbers = #tpu.dot_dimension_numbers<[1], [0], [0], [1], [0, 0, 1, 1], [], []>, transpose_lhs_hint = false} : vector<4096x64xf32>, vector<64x64xf32>, vector<4096x64xf32> -> vector<4096x64xf32>
    %get3A_6 = arith.constant 0 : index
    %get3A_7 = arith.constant 0 : index
    %get3A_8 = vector.load %arg2[%get3A_6, %get3A_7] : memref<1x64xf32, #tpu.memory_space<vmem>>, vector<1x64xf32>
    %add3A = vector.broadcast %get3A_8 : vector<1x64xf32> to vector<4096x64xf32>
    %add3A_9 = arith.addf %dot_general3A_5, %add3A : vector<4096x64xf32>
    %max3A = arith.constant 0.000000e+00 : f32
    %max3A_10 = vector.broadcast %max3A : f32 to vector<4096x64xf32>
    %max3A_11 = arith.maximumf %add3A_9, %max3A_10 : vector<4096x64xf32>
    %get3A_12 = arith.constant 0 : index
    %get3A_13 = arith.constant 0 : index
    %get3A_14 = vector.load %arg3[%get3A_12, %get3A_13] : memref<64x128xf32, #tpu.memory_space<vmem>>, vector<64x128xf32>
    %dot_general3A_15 = arith.constant dense<0.000000e+00> : vector<4096x128xf32>
    %dot_general3A_16 = tpu.matmul %max3A_11, %get3A_14, %dot_general3A_15 {dimension_numbers = #tpu.dot_dimension_numbers<[1], [0], [0], [1], [0, 0, 1, 1], [], []>, transpose_lhs_hint = false} : vector<4096x64xf32>, vector<64x128xf32>, vector<4096x128xf32> -> vector<4096x128xf32>
    %get3A_17 = arith.constant 0 : index
    %get3A_18 = arith.constant 0 : index
    %get3A_19 = vector.load %arg4[%get3A_17, %get3A_18] : memref<1x128xf32, #tpu.memory_space<vmem>>, vector<1x128xf32>
    %add3A_20 = vector.broadcast %get3A_19 : vector<1x128xf32> to vector<4096x128xf32>
    %add3A_21 = arith.addf %dot_general3A_16, %add3A_20 : vector<4096x128xf32>
    %slice3A = vector.extract_strided_slice %add3A_21 {offsets = [0, 0], sizes = [4096, 2], strides = [1, 1]} : vector<4096x128xf32> to vector<4096x2xf32>
    %swap3A = arith.constant 0 : index
    %swap3A_22 = arith.constant 0 : index
    %swap3A_23 = vector.load %arg5[%swap3A, %swap3A_22] : memref<4096x2xf32, #tpu.memory_space<vmem>>, vector<4096x2xf32>
    tpu.vector_store %arg5[%swap3A, %swap3A_22], %slice3A {strides = array<i32>} : memref<4096x2xf32, #tpu.memory_space<vmem>>, vector<4096x2xf32>,
    return
  }
}

</mosaic_0001>

<sc_bundles>
// kernel: kernel.4.cloned.1.call-start
scs
__scs_entry_jumppad:
0x0: {  	(pc) =	sbr.rel $0x88, $3  }
0x1: {  	(tag) =	ssettag $0x0;
	lr =	simm.s32 $0x1  }
0x2: {  	[smem:$0x3F9B] =	sst lr;
	_ =	strace $0xD0000000  }
0x3: {  	_ = 	snop  }
0x4: {  	_ = 	snop  }
0x5: {  	_ = 	snop  }
0x6: {  	_ = 	snop  }
0x7: {  	_ = 	snop  }
__scs_overlays_trampoline_lowered:
0x8: {  	[smem:$0x3FAA] =	sst s0  }
0x9: {  	[smem:$0x3FAB] =	sst s1  }
0xa: {  	[smem:$0x3FAC] =	sst s2  }
0xb: {  	[smem:$0x3FAD] =	sst s3  }
0xc: {  	[smem:$0x3FAE] =	sst s4  }
0xd: {  	[smem:$0x3FAF] =	sst s5  }
0xe: {  	[smem:$0x3FB0] =	sst s6  }
0xf: {  	[smem:$0x3FB1] =	sst s7  }
0x10: {  	[smem:$0x3FB2] =	sst s8  }
0x11: {  	[smem:$0x3FB3] =	sst s9;
	s0 =	simm.s32 @!p0 $0x0  }
0x12: {  	s1 =	sld [smem:$0x3F99];
	s0 =	simm.s32 @p0 $0x1  }
0x13: {  	[smem:$0x3FB4] =	sst s0;
	s0 =	simm.s32 @!p1 $0x0  }
0x14: {  	s2 =	sld [smem:$0x3F98];
	s0 =	simm.s32 @p1 $0x1  }
0x15: {  	[smem:$0x3FB5] =	sst s0;
	s0 =	simm.s32 @!p2 $0x0  }
0x16: {  	s3 =	sld [smem:$0x3FDB];
	s0 =	simm.s32 @p2 $0x1  }
0x17: {  	s4 =	simm.s32 $0x1BF5;
	[smem:$0x3FB7] =	sst s0  }
0x18: {  	s0 =	sld [smem:$0x3F9A];
	_ =	swait.ge [sflag:s4], $0x0  }
0x19: {  	s7 =	sld [smem:$0x3F9B]  }
0x1a: {  	s8 =	sadd.s32 $0xFFFFE003, lr  }
0x1b: {  	s9 =	sadd.s32 $0xFFFFFEF7, lr;
	s5 =	simm.s32 $0xFFFFFFFF;
	p2 =	slt.u32 s8, $0xFFFFF086  }
0x1c: {  	p1 =	slt.u32 s9, $0xF7A;
	s5 =	simm.s32 @!p2 $0x0  }
0x1d: {  	s5 =	simm.s32 @p1 $0x1;
	p0 =	seq.s32 s7, s2  }
0x1e: {  	s7 =	smul.u32 @!p0 $0xF7A, s2;
	p2 =	seq.s32 @!p0 s5, $0x0  }
0x1f: {  	s9 =	smul.u32 $0xF7A, s1;
	s8 =	simm.s32 @!p0 $0x1BF5;
	p2 =	por !p2, p0  }
0x20: {  	[sflag:s8] =	ssyncset.s32 @!p0 $0xFFFFF086;
	s6 =	sadd.s32 @!p0 s3, s7;
	s7 =	simm.s32 @!p0 $0x108  }
0x21: {  	s3 =	sadd.s32 s3, s9;
	s6 =	sadd.s32 @!p0 $0x88, s6;
	s7 =	simm.s32 @p2 $0x1082  }
0x22: {  	[simem:s7], [sflag:s8] =	dma.local @!p0 [hbm:s6], $0xF7A  }
0x23: {  	s9 =	sor.u32 $0xD0000000, s2;
	s6 =	simm.s32 $0x108;
	_ =	swait.ge @!p0 [sflag:s8], $0x0  }
0x24: {  	s3 =	sadd.s32 $0x88, s3;
	s6 =	simm.s32 @!p1 $0x1082;
	[sflag:s4] =	ssyncset.s32 $0xFFFFF086  }
0x25: {  	[simem:s6], [sflag:s4] =	dma.local [hbm:s3], $0xF7A  }
0x26: {  	[smem:$0x3F9B] =	sst s1;
	(tag) =	ssettag s2;
	_ =	strace s9  }
0x27: {  	s1 =	sld [smem:$0x3FAB]  }
0x28: {  	s2 =	sld [smem:$0x3FAC]  }
0x29: {  	s4 =	sld [smem:$0x3FAE]  }
0x2a: {  	p0 =	seq.s32 s5, $0x0;
	s5 =	sld [smem:$0x3FAF]  }
0x2b: {  	s6 =	sld [smem:$0x3FB0]  }
0x2c: {  	s7 =	sld [smem:$0x3FB1]  }
0x2d: {  	s3 =	simm.s32 $0x108;
	s8 =	sld [smem:$0x3FB2]  }
0x2e: {  	s3 =	simm.s32 @!p0 $0x1082;
	s9 =	sld [smem:$0x3FB3]  }
0x2f: {  	lr =	sadd.s32 s0, s3;
	s0 =	sld [smem:$0x3FAA]  }
0x30: {  	s3 =	sld [smem:$0x3FAD]  }
0x31: {  	[smem:$0x3FB6] =	sst s10  }
0x32: {  	s10 =	sld [smem:$0x3FB4];
	_ =	sdelay $0x3  }
0x33: {  	p0 =	seq.s32 s10, $0x1;
	s10 =	sld [smem:$0x3FB6];
	_ =	sdelay $0x3  }
0x34: {  	[smem:$0x3FB6] =	sst s10  }
0x35: {  	s10 =	sld [smem:$0x3FB5];
	_ =	sdelay $0x3  }
0x36: {  	p1 =	seq.s32 s10, $0x1;
	s10 =	sld [smem:$0x3FB6];
	_ =	sdelay $0x3  }
0x37: {  	[smem:$0x3FB6] =	sst s10  }
0x38: {  	s10 =	sld [smem:$0x3FB7]  }
0x39: {  	_ = 	snop;
	(pc) =	sbr.ind lr, $3  }
0x3a: {  	_ = 	snop  }
0x3b: {  	_ = 	snop  }
0x3c: {  	p2 =	seq.s32 s10, $0x1;
	s10 =	sld [smem:$0x3FB6]  }
0x3d: {  	_ =	shalt  }
0x3e: {  	_ =	shalt  }
0x3f: {  	_ =	shalt  }
0x40: {  	_ =	shalt  }
0x41: {  	_ =	shalt  }
0x42: {  	_ =	shalt  }
0x43: {  	_ =	shalt  }
0x44: {  	_ =	shalt  }
0x45: {  	_ =	shalt  }
0x46: {  	_ =	shalt  }
0x47: {  	_ =	shalt  }
0x48: {  	_ =	shalt  }
0x49: {  	_ =	shalt  }
0x4a: {  	_ =	shalt  }
0x4b: {  	_ =	shalt  }
0x4c: {  	_ =	shalt  }
0x4d: {  	_ =	shalt  }
0x4e: {  	_ =	shalt  }
0x4f: {  	_ =	shalt  }
0x50: {  	_ =	shalt  }
0x51: {  	_ =	shalt  }
0x52: {  	_ =	shalt  }
0x53: {  	_ =	shalt  }
0x54: {  	_ =	shalt  }
0x55: {  	_ =	shalt  }
0x56: {  	_ =	shalt  }
0x57: {  	_ =	shalt  }
0x58: {  	_ =	shalt  }
0x59: {  	_ =	shalt  }
0x5a: {  	_ =	shalt  }
0x5b: {  	_ =	shalt  }
0x5c: {  	_ =	shalt  }
0x5d: {  	_ =	shalt  }
0x5e: {  	_ =	shalt  }
0x5f: {  	_ =	shalt  }
0x60: {  	_ =	shalt  }
0x61: {  	_ =	shalt  }
0x62: {  	_ =	shalt  }
0x63: {  	_ =	shalt  }
0x64: {  	_ =	shalt  }
0x65: {  	_ =	shalt  }
0x66: {  	_ =	shalt  }
0x67: {  	_ =	shalt  }
0x68: {  	_ =	shalt  }
0x69: {  	_ =	shalt  }
0x6a: {  	_ =	shalt  }
0x6b: {  	_ =	shalt  }
0x6c: {  	_ =	shalt  }
0x6d: {  	_ =	shalt  }
0x6e: {  	_ =	shalt  }
0x6f: {  	_ =	shalt  }
0x70: {  	_ =	shalt  }
0x71: {  	_ =	shalt  }
0x72: {  	_ =	shalt  }
0x73: {  	_ =	shalt  }
0x74: {  	_ =	shalt  }
0x75: {  	_ =	shalt  }
0x76: {  	_ =	shalt  }
0x77: {  	_ =	shalt  }
0x78: {  	_ =	shalt  }
0x79: {  	_ =	shalt  }
0x7a: {  	_ =	shalt  }
0x7b: {  	_ =	shalt  }
0x7c: {  	_ =	shalt  }
0x7d: {  	_ =	shalt  }
0x7e: {  	_ =	shalt  }
0x7f: {  	_ =	shalt  }
0x80: {  	_ =	shalt  }
0x81: {  	_ =	shalt  }
0x82: {  	_ =	shalt  }
0x83: {  	_ =	shalt  }
0x84: {  	_ =	shalt  }
0x85: {  	_ =	shalt  }
0x86: {  	_ =	shalt  }
0x87: {  	_ =	shalt  }
.Lfunc_end0:
.L_simem_size_0:
called_computation_lowered:
.L_overlay_start_0:
0x88: {  	s2 =	sld [smem:$0x3FD9]  }
0x89: {  	s3 =	sld [smem:$0x3FFE];
	_ =	sdelay $0x1  }
0x8a: {  	s1 =	srdreg.scid  }
0x8b: {  	s0 =	sand.u32 $0x1, s1  }
0x8c: {  	s16 =	sshll.u32 s0, $0xA;
	s2 =	sadd.s32 s3, s2  }
0x8d: {  	s2 =	sadd.s32 s2, s16  }
0x8e: {  	[smem:$0x3FC2] =	sst s2  }
0x8f: {  	_ = 	snop  }
0x90: {  	(tm) =	ssettm $0x1  }
0x91: {  	s17 =	sld [smem:$0x3FFB];
	_ =	sdelay $0x3  }
0x92: {  	_ =	strace s17  }
0x93: {  	s2 =	sld [smem:$0x3FFC];
	_ =	sdelay $0x3  }
0x94: {  	_ =	strace s2  }
0x95: {  	s2 =	sld [smem:$0x3FFD];
	_ =	sdelay $0x3  }
0x96: {  	_ =	strace s2  }
0x97: {  	_ =	strace $0x8FFFFFFF  }
0x98: {  	s18 =	sld [smem:$0x3FDB];
	_ =	sdelay $0x1  }
0x99: {  	s19 =	simm.s32 $_scs_section_size  }
0x9a: {  	s4 =	simm.s32 $_size__tile_overlayer_lowered;
	s5 =	simm.s32 $_tile_overlayer_lowered  }
0x9b: {  	s22 =	simm.s32 $0x1BFF;
	s21 =	sshll.u32 s5, $0x1;
	s2 =	sadd.s32 s19, s18  }
0x9c: {  	s6 =	simm.s32 $0x0;
	s20 =	sshll.u32 s4, $0x1;
	s4 =	sadd.s32 s21, s2  }
0x9d: {  	[timem:s6], [sflag:s22] =	dma.local [hbm:s4], s20  }
0x9e: {  	_ =	swait.ge [sflag:s22], s20  }
0x9f: {  	s3 =	ssub.s32 $0x0, s20;
	[sflag:s22] =	ssyncset.done $0x0  }
0xa0: {  	[sflag:s22] =	ssyncadd.s32 s3;
	_ =	sdelay $0x1  }
0xa1: {  	s23 =	simm.s32 $0x1B8B  }
0xa2: {  	_ =	swait.ge [sflag:s23], $0x1  }
0xa3: {  	[sflag:s23] =	ssyncset.done $0x0  }
0xa4: {  	s25 =	simm.s32 $0x1B8E;
	s24 =	sld [smem:$0x3FFE];
	[sflag:s23] =	ssyncadd.s32 $0xFFFFFFFF  }
0xa5: {  	s26 =	simm.s32 $execute0_lowered;
	[smem:$0x3FD2] =	sst s25  }
0xa6: {  	s4 =	sshll.u32 s26, $0x1;
	_ =	strace $0x80000046;
	[dreg:$0x1] =	wrdreg $0xFFFFFFFF  }
0xa7: {  	s28 =	simm.s32 $_size_execute0_lowered;
	s2 =	sadd.s32 s2, s4;
	[dreg:$0x0] =	wrdreg $0x0  }
0xa8: {  	s4 =	sshll.u32 s28, $0x1;
	[dreg:$0x2] =	wrdreg s2  }
0xa9: {  	[dreg:$0x3] =	wrdreg s4  }
0xaa: {  	[dreg:$0x4] =	wrdreg $0xC0  }
0xab: {  	_ =	task [dreg:s6], $0x5FFFF  }
0xac: {  	[dreg:$0x1] =	wrdreg $0xFFFFFFFF  }
0xad: {  	[dreg:$0x0] =	wrdreg $0x60  }
0xae: {  	[dreg:$0x2] =	wrdreg s24  }
0xaf: {  	[dreg:$0x3] =	wrdreg $0x9  }
0xb0: {  	_ =	task.clear_ibuf [dreg:s6], $0x4FFFF;
	_ =	strace $0x90000046  }
0xb1: {  	s29 =	simm.s32 $0x9;
	_ =	strace $0x80000048  }
0xb2: {  	_ =	swait.ge [sflag:s29], $0x1  }
0xb3: {  	[sflag:s29] =	ssyncadd.s32 $0xFFFFFFFF  }
0xb4: {  	_ =	strace $0x90000048  }
0xb5: {  	_ =	sfence  }
0xb6: {  	s30 =	sld [smem:$0x0];
	_ =	sdelay $0x2  }
0xb7: {  	s31 =	sshll.u32 s1, $0xD;
	s1 =	sshrl.u32 s1, $0x2  }
0xb8: {  	s3 =	sand.u32 $0x4000, s31;
	s1 =	sadd.s32 s1, s30  }
0xb9: {  	s0 =	sor.u32 s3, s0;
	s1 =	sshll.u32 s1, $0x11  }
0xba: {  	s0 =	sor.u32 s1, s0  }
0xbb: {  	s0 =	sadd.s32 $0x8F2B, s0  }
0xbc: {  	[sflag:s0] =	ssyncadd.remote.s32 $0x1  }
0xbd: {  	_ =	sfence.sel $0xFFFF  }
0xbe: {  	[dreg:$0x0] =	wrdreg $0xFFFFFFFF;
	(pc) =	sbr.abs _section_cstart, $3  }
0xbf: {  	[dreg:$0x1] =	wrdreg $0xFFFFFFFF  }
0xc0: {  	_ =	task.clear_ibuf [dreg:s6], $0x2FFFF;
	_ =	strace $0x9FFFFFFF  }
0xc1: {  	(tm) =	ssettm $0x7FFFFFFF  }
tec
execute0_lowered:
.L_overlay_start_1:
0x0: {  	(tag) =	ssettag $0x1  }
0x1: {  	s0 =	srdreg.scid  }
0x2: {  	s2 =	stileid.u32;
	s1 =	rddreg [dreg:$0x0];
	s7 =	simm.s32 $0x5  }
0x3: {  	s8 =	simm.s32 $0x68;
	s10 =	simm.s32 $0x60;
	s12 =	simm.s32 $0xC8  }
0x4: {  	s13 =	simm.s32 $0x9600;
	s14 =	simm.s32 $0x130;
	s15 =	simm.s32 $0xB000  }
0x5: {  	s16 =	simm.s32 $0x190;
	s17 =	simm.s32 $0xC800;
	s18 =	simm.s32 $0x1F8  }
0x6: {  	s19 =	simm.s32 $0xE200;
	s20 =	simm.s32 $0x1;
	s21 =	simm.s32 $0xFA00  }
0x7: {  	s22 =	simm.s32 $0x11400;
	s23 =	simm.s32 $0x2;
	s24 =	simm.s32 $0x3  }
0x8: {  	s25 =	simm.s32 $0x4;
	s26 =	simm.s32 $0x12C00;
	s0 =	sand.u32 $0x1, s0  }
0x9: {  	s3 =	sshll.u32 s2, $0x8;
	s2 =	simm.s32 $0x0;
	s4 =	sshll.u32 s0, $0x7  }
0xa: {  	s28 =	simm.s32 $0x0;
	[smem:$0x7FF] =	sst s2;
	s3 =	sor.u32 s4, s3  }
0xb: {  	s0 =	ssub.s32 $0x2, s0;
	_ =	strace $0x80000047;
	s4 =	smul.u32 $0x19, s3  }
0xc: {  	s6 =	sshrl.u32 s0, $0x1;
	s5 =	sshll.u32 s3, $0x3;
	s3 =	sadd.s32 $0x1A0800, s1  }
0xd: {  	s0 =	ssub.s32 s0, s6;
	s4 =	sadd.s32 s4, s1;
	s1 =	sadd.s32 s5, s1  }
0xe: {  	s6 =	smax.u32 s0, $0x1;
	s4 =	sadd.s32 $0x187800, s4;
	s5 =	sadd.s32 $0xE00, s1  }
.LBB2_1:
0xf: {  	[tilespmem:s2], [sflag:$0x5] =	stream.linear.gather [hbm4b:s4+s2], $0x6400, $0x38;
	[tilespmem:$0x14C00] =	vst v63  }
0x10: {  	_ =	swait.ge [sflag:s7], $0x6400  }
0x11: {  	[sflag:s7] =	ssyncset.done $0x0  }
0x12: {  	s0 =	simm.s32 $0x6400;
	[sflag:s7] =	ssyncadd.s32 $0xFFFF9C00  }
0x13: {  	[tilespmem:s0], [sflag:$0x1] =	stream.indirect.gather [hbm4b:s3+s8], $0x40, s2, s8, $0xb8;
	[tilespmem:$0x14C00] =	vst v63  }
0x14: {  	s31 =	simm.s32 $0x7E00  }
0x15: {  	[tilespmem:s31], [sflag:$0x1] =	stream.indirect.gather [hbm4b:s3+s10], $0x40, s8, s10, $0xb8;
	[tilespmem:$0x14C00] =	vst v63  }
0x16: {  	_ = 	snop  }
0x17: {  	[tilespmem:s13], [sflag:$0x2] =	stream.indirect.gather [hbm4b:s3+s8], $0x40, s12, s8, $0xb8;
	[tilespmem:$0x14C00] =	vst v63  }
0x18: {  	_ = 	snop  }
0x19: {  	[tilespmem:s15], [sflag:$0x2] =	stream.indirect.gather [hbm4b:s3+s10], $0x40, s14, s10, $0xb8;
	[tilespmem:$0x14C00] =	vst v63  }
0x1a: {  	_ = 	snop  }
0x1b: {  	[tilespmem:s17], [sflag:$0x3] =	stream.indirect.gather [hbm4b:s3+s8], $0x40, s16, s8, $0xb8;
	[tilespmem:$0x14C00] =	vst v63  }
0x1c: {  	s29 =	simm.s32 $0x0  }
0x1d: {  	[tilespmem:s19], [sflag:$0x3] =	stream.indirect.gather [hbm4b:s3+s10], $0x40, s18, s10, $0xb8;
	[tilespmem:$0x14C00] =	vst v63  }
.LBB2_2:
0x1e: {  	_ =	swait.ge [sflag:s20], $0x1A00  }
0x1f: {  	[sflag:s20] =	ssyncset.done $0x0  }
0x20: {  	s30 =	sshllo.u32 s29, $0x2;
	[sflag:s20] =	ssyncadd.s32 $0xFFFFE600  }
0x21: {  	s0 =	smul.u32 $0x320, s30;
	_ =	swait.ge [sflag:s20], $0x1800  }
0x22: {  	[sflag:s20] =	ssyncset.done $0x0  }
0x23: {  	s0 =	sshra.s32 s0, $0x2;
	[sflag:s20] =	ssyncadd.s32 $0xFFFFE800  }
0x24: {  	[tilespmem:s21], [sflag:$0x4] =	stream.indirect.gather [hbm4b:s3+s8], $0x40, s0, s8, $0xb8;
	[tilespmem:$0x14C00] =	vst v63  }
0x25: {  	s1 =	simm.s32 $0x0;
	s0 =	sadd.s32 $0x68, s0  }
0x26: {  	[tilespmem:s22], [sflag:$0x4] =	stream.indirect.gather [hbm4b:s3+s10], $0x40, s0, s10, $0xb8;
	[tilespmem:$0x14C00] =	vst v63  }
0x27: {  	v0 =	vld [tilespmem:s1+$0x65C0]  }
0x28: {  	v1 =	vld [tilespmem:s1+$0x65D0]  }
0x29: {  	v2 =	vld [tilespmem:s1+$0x6580]  }
0x2a: {  	v3 =	vld [tilespmem:s1+$0x6590]  }
0x2b: {  	v4 =	vld [tilespmem:s1+$0x6540]  }
0x2c: {  	v5 =	vld [tilespmem:s1+$0x6550]  }
0x2d: {  	v6 =	vld [tilespmem:s1+$0x6500]  }
0x2e: {  	v7 =	vld [tilespmem:s1+$0x6510]  }
0x2f: {  	v9 =	vld [tilespmem:s1+$0x64C0]  }
0x30: {  	v8 =	vld [tilespmem:s1+$0x64D0]  }
0x31: {  	v11 =	vld [tilespmem:s1+$0x6480]  }
0x32: {  	v10 =	vld [tilespmem:s1+$0x6490]  }
0x33: {  	v17 =	vld [tilespmem:s1+$0x6440]  }
0x34: {  	v16 =	vld [tilespmem:s1+$0x6450]  }
0x35: {  	v19 =	vld [tilespmem:s1+$0x6400]  }
0x36: {  	v12 =	vimm.f32 $0.0e+00;
	v20 =	vld [tilespmem:s1+$0x6410]  }
0x37: {  	v15 =	vimm.f32 $0.0e+00;
	v14 =	vimm.f32 $0.0e+00;
	v13 =	vimm.f32 $0.0e+00;
	s0 =	simm.s32 $0x800;
	v18 =	vld [tilespmem:s1+$0x6420]  }
.LBB2_3:
0x38: {  	p0 =	sne.s32 s0, $0xC000;
	v21 =	vld [tilespmem:s1+$0x6430]  }
0x39: {  	v22 =	vld [tilespmem:s1+$0x6460]  }
0x3a: {  	v23 =	vld [tilespmem:s1+$0x6470]  }
0x3b: {  	v24 =	vld [tilespmem:s1+$0x64A0]  }
0x3c: {  	v12 =	vadd.f32 v19, v12;
	v15 =	vadd.f32 v20, v15;
	v19 =	vld [tilespmem:s1+$0x64B0]  }
0x3d: {  	v14 =	vadd.f32 v18, v14;
	v13 =	vadd.f32 v21, v13;
	v18 =	vld [tilespmem:s1+$0x64E0]  }
0x3e: {  	v12 =	vadd.f32 v17, v12;
	v15 =	vadd.f32 v16, v15;
	v16 =	vld [tilespmem:s1+$0x64F0]  }
0x3f: {  	v14 =	vadd.f32 v22, v14;
	v13 =	vadd.f32 v23, v13;
	v17 =	vld [tilespmem:s1+$0x6520]  }
0x40: {  	v11 =	vadd.f32 v11, v12;
	v10 =	vadd.f32 v10, v15;
	v12 =	vld [tilespmem:s1+$0x6530]  }
0x41: {  	v14 =	vadd.f32 v24, v14;
	v13 =	vadd.f32 v19, v13;
	v15 =	vld [tilespmem:s1+$0x6560]  }
0x42: {  	v9 =	vadd.f32 v9, v11;
	v8 =	vadd.f32 v8, v10;
	v10 =	vld [tilespmem:s1+$0x6570]  }
0x43: {  	v11 =	vadd.f32 v18, v14;
	v13 =	vadd.f32 v16, v13;
	v14 =	vld [tilespmem:s1+$0x65A0]  }
0x44: {  	v6 =	vadd.f32 v6, v9;
	v7 =	vadd.f32 v7, v8;
	v8 =	vld [tilespmem:s1+$0x65B0]  }
0x45: {  	v9 =	vadd.f32 v17, v11;
	v11 =	vadd.f32 v12, v13;
	v13 =	vld [tilespmem:s1+$0x65E0]  }
0x46: {  	v4 =	vadd.f32 v4, v6;
	v5 =	vadd.f32 v5, v7;
	v6 =	vld [tilespmem:s1+$0x65F0];
	s1 =	sshra.s32 s0, $0x2  }
0x47: {  	v9 =	vadd.f32 v15, v9;
	v7 =	vld [tilespmem:s1+$0x65C0];
	v10 =	vadd.f32 v10, v11  }
0x48: {  	v4 =	vadd.f32 v2, v4;
	v5 =	vadd.f32 v3, v5;
	v11 =	vld [tilespmem:s1+$0x65D0]  }
0x49: {  	v9 =	vadd.f32 v14, v9;
	v2 =	vld [tilespmem:s1+$0x6580];
	v8 =	vadd.f32 v8, v10  }
0x4a: {  	v12 =	vadd.f32 v0, v4;
	v15 =	vadd.f32 v1, v5;
	v3 =	vld [tilespmem:s1+$0x6590]  }
0x4b: {  	v14 =	vadd.f32 v13, v9;
	v4 =	vld [tilespmem:s1+$0x6540];
	v13 =	vadd.f32 v6, v8  }
0x4c: {  	v5 =	vld [tilespmem:s1+$0x6550];
	v0 =	vmov v7  }
0x4d: {  	v6 =	vld [tilespmem:s1+$0x6500];
	v1 =	vmov v11  }
0x4e: {  	v7 =	vld [tilespmem:s1+$0x6510]  }
0x4f: {  	v9 =	vld [tilespmem:s1+$0x64C0]  }
0x50: {  	v8 =	vld [tilespmem:s1+$0x64D0]  }
0x51: {  	v11 =	vld [tilespmem:s1+$0x6480]  }
0x52: {  	v10 =	vld [tilespmem:s1+$0x6490]  }
.Ltmp0:
0x53: {  	v17 =	vld [tilespmem:s1+$0x6440];
	(pc) =	sbr.rel @p0 .LBB2_3-.Ltmp0, $4  }
0x54: {  	v16 =	vld [tilespmem:s1+$0x6450]  }
0x55: {  	v19 =	vld [tilespmem:s1+$0x6400]  }
0x56: {  	v20 =	vld [tilespmem:s1+$0x6410]  }
0x57: {  	s0 =	sadd.s32 $0x800, s0;
	v18 =	vld [tilespmem:s1+$0x6420]  }
0x58: {  	v21 =	vld [tilespmem:s1+$0x6430]  }
0x59: {  	v22 =	vld [tilespmem:s1+$0x6460]  }
0x5a: {  	v23 =	vld [tilespmem:s1+$0x6470];
	v12 =	vadd.f32 v19, v12  }
0x5b: {  	v19 =	vld [tilespmem:s1+$0x64A0];
	v15 =	vadd.f32 v20, v15  }
0x5c: {  	v20 =	vld [tilespmem:s1+$0x64B0];
	v14 =	vadd.f32 v18, v14;
	v12 =	vadd.f32 v17, v12  }
0x5d: {  	v17 =	vld [tilespmem:s1+$0x64E0];
	v13 =	vadd.f32 v21, v13;
	v15 =	vadd.f32 v16, v15  }
0x5e: {  	v16 =	vld [tilespmem:s1+$0x64F0];
	v14 =	vadd.f32 v22, v14;
	v11 =	vadd.f32 v11, v12  }
0x5f: {  	v12 =	vadd.f32 v23, v13;
	v13 =	vld [tilespmem:s1+$0x6520];
	v10 =	vadd.f32 v10, v15  }
0x60: {  	v15 =	vld [tilespmem:s1+$0x6530];
	v14 =	vadd.f32 v19, v14;
	v9 =	vadd.f32 v9, v11  }
0x61: {  	v11 =	vadd.f32 v20, v12;
	v12 =	vld [tilespmem:s1+$0x6560];
	v8 =	vadd.f32 v8, v10  }
0x62: {  	v10 =	vld [tilespmem:s1+$0x6570];
	v14 =	vadd.f32 v17, v14;
	v6 =	vadd.f32 v6, v9  }
0x63: {  	v9 =	vadd.f32 v16, v11;
	v11 =	vld [tilespmem:s1+$0x65A0];
	v7 =	vadd.f32 v7, v8  }
0x64: {  	v8 =	vld [tilespmem:s1+$0x65B0];
	v13 =	vadd.f32 v13, v14;
	v4 =	vadd.f32 v4, v6  }
0x65: {  	v6 =	vadd.f32 v15, v9;
	v9 =	vld [tilespmem:s1+$0x65E0];
	v5 =	vadd.f32 v5, v7  }
0x66: {  	v7 =	vld [tilespmem:s1+$0x65F0];
	v12 =	vadd.f32 v12, v13;
	v2 =	vadd.f32 v2, v4  }
0x67: {  	v4 =	vadd.f32 v10, v6;
	v3 =	vadd.f32 v3, v5  }
0x68: {  	s0 =	sshll.u32 s29, $0x8;
	v5 =	vadd.f32 v11, v12;
	v0 =	vadd.f32 v0, v2  }
0x69: {  	s31 =	sand.u32 $0x3FFFFF00, s0;
	v2 =	vadd.f32 v8, v4;
	v1 =	vadd.f32 v1, v3  }
0x6a: {  	v3 =	vadd.f32 v9, v5;
	[tilespmem:s31+$0x12C00] =	vst v0  }
0x6b: {  	v0 =	vadd.f32 v7, v2;
	[tilespmem:s31+$0x12C10] =	vst v1  }
0x6c: {  	[tilespmem:s31+$0x12C20] =	vst v3  }
0x6d: {  	[tilespmem:s31+$0x12C30] =	vst v0  }
0x6e: {  	_ =	swait.ge [sflag:s23], $0x1A00  }
0x6f: {  	p0 =	seq.s32 s29, $0x1F;
	[sflag:s23] =	ssyncset.done $0x0  }
0x70: {  	s0 =	smul.u32 @!p0 $0xC80, s29;
	[sflag:s23] =	ssyncadd.s32 $0xFFFFE600  }
0x71: {  	_ =	swait.ge [sflag:s23], $0x1800  }
0x72: {  	s9 =	simm.s32 @!p0 $0x68;
	s1 =	sshra.s32 @!p0 s0, $0x2;
	[sflag:s23] =	ssyncset.done $0x0  }
0x73: {  	s11 =	simm.s32 @!p0 $0x6400;
	s0 =	sadd.s32 @!p0 $0x320, s1;
	[sflag:s23] =	ssyncadd.s32 $0xFFFFE800  }
0x74: {  	[tilespmem:s11], [sflag:$0x1] =	stream.indirect.gather @!p0 [hbm4b:s3+s9], $0x40, s0, s9, $0xb8;
	[tilespmem:$0x14C00] =	vst v63  }
0x75: {  	s0 =	sadd.s32 @!p0 $0x388, s1;
	s9 =	simm.s32 @!p0 $0x60;
	s11 =	simm.s32 @!p0 $0x7E00  }
0x76: {  	[tilespmem:s11], [sflag:$0x1] =	stream.indirect.gather @!p0 [hbm4b:s3+s9], $0x40, s0, s9, $0xb8;
	[tilespmem:$0x14C00] =	vst v63  }
0x77: {  	s0 =	simm.s32 $0x0  }
0x78: {  	v0 =	vld [tilespmem:s0+$0x97C0]  }
0x79: {  	v1 =	vld [tilespmem:s0+$0x97D0]  }
0x7a: {  	v2 =	vld [tilespmem:s0+$0x9780]  }
0x7b: {  	v3 =	vld [tilespmem:s0+$0x9790]  }
0x7c: {  	v4 =	vld [tilespmem:s0+$0x9740]  }
0x7d: {  	v5 =	vld [tilespmem:s0+$0x9750]  }
0x7e: {  	v6 =	vld [tilespmem:s0+$0x9700]  }
0x7f: {  	v7 =	vld [tilespmem:s0+$0x9710]  }
0x80: {  	v9 =	vld [tilespmem:s0+$0x96C0]  }
0x81: {  	v8 =	vld [tilespmem:s0+$0x96D0]  }
0x82: {  	v11 =	vld [tilespmem:s0+$0x9680]  }
0x83: {  	v10 =	vld [tilespmem:s0+$0x9690]  }
0x84: {  	v17 =	vld [tilespmem:s0+$0x9640]  }
0x85: {  	v16 =	vld [tilespmem:s0+$0x9650]  }
0x86: {  	v19 =	vld [tilespmem:s0+$0x9600]  }
0x87: {  	v14 =	vimm.f32 $0.0e+00;
	v20 =	vld [tilespmem:s0+$0x9610]  }
0x88: {  	v15 =	vimm.f32 $0.0e+00;
	v13 =	vimm.f32 $0.0e+00;
	v12 =	vimm.f32 $0.0e+00;
	s9 =	simm.s32 $0x800;
	v18 =	vld [tilespmem:s0+$0x9620]  }
.LBB2_5:
0x89: {  	p1 =	sne.s32 s9, $0xC000;
	v21 =	vld [tilespmem:s0+$0x9630]  }
0x8a: {  	v22 =	vld [tilespmem:s0+$0x9660]  }
0x8b: {  	v23 =	vld [tilespmem:s0+$0x9670]  }
0x8c: {  	v24 =	vld [tilespmem:s0+$0x96A0]  }
0x8d: {  	v12 =	vadd.f32 v19, v12;
	v15 =	vadd.f32 v20, v15;
	v19 =	vld [tilespmem:s0+$0x96B0]  }
0x8e: {  	v14 =	vadd.f32 v18, v14;
	v13 =	vadd.f32 v21, v13;
	v18 =	vld [tilespmem:s0+$0x96E0]  }
0x8f: {  	v12 =	vadd.f32 v17, v12;
	v15 =	vadd.f32 v16, v15;
	v16 =	vld [tilespmem:s0+$0x96F0]  }
0x90: {  	v14 =	vadd.f32 v22, v14;
	v13 =	vadd.f32 v23, v13;
	v17 =	vld [tilespmem:s0+$0x9720]  }
0x91: {  	v11 =	vadd.f32 v11, v12;
	v10 =	vadd.f32 v10, v15;
	v12 =	vld [tilespmem:s0+$0x9730]  }
0x92: {  	v14 =	vadd.f32 v24, v14;
	v13 =	vadd.f32 v19, v13;
	v15 =	vld [tilespmem:s0+$0x9760]  }
0x93: {  	v9 =	vadd.f32 v9, v11;
	v8 =	vadd.f32 v8, v10;
	v10 =	vld [tilespmem:s0+$0x9770]  }
0x94: {  	v11 =	vadd.f32 v18, v14;
	v13 =	vadd.f32 v16, v13;
	v14 =	vld [tilespmem:s0+$0x97A0]  }
0x95: {  	v6 =	vadd.f32 v6, v9;
	v7 =	vadd.f32 v7, v8;
	v8 =	vld [tilespmem:s0+$0x97B0]  }
0x96: {  	v9 =	vadd.f32 v17, v11;
	v11 =	vadd.f32 v12, v13;
	v13 =	vld [tilespmem:s0+$0x97E0]  }
0x97: {  	v4 =	vadd.f32 v4, v6;
	v5 =	vadd.f32 v5, v7;
	v6 =	vld [tilespmem:s0+$0x97F0];
	s0 =	sshra.s32 s9, $0x2  }
0x98: {  	v9 =	vadd.f32 v15, v9;
	v7 =	vld [tilespmem:s0+$0x97C0];
	v10 =	vadd.f32 v10, v11  }
0x99: {  	v4 =	vadd.f32 v2, v4;
	v5 =	vadd.f32 v3, v5;
	v11 =	vld [tilespmem:s0+$0x97D0]  }
0x9a: {  	v9 =	vadd.f32 v14, v9;
	v2 =	vld [tilespmem:s0+$0x9780];
	v8 =	vadd.f32 v8, v10  }
0x9b: {  	v12 =	vadd.f32 v0, v4;
	v15 =	vadd.f32 v1, v5;
	v3 =	vld [tilespmem:s0+$0x9790]  }
0x9c: {  	v14 =	vadd.f32 v13, v9;
	v4 =	vld [tilespmem:s0+$0x9740];
	v13 =	vadd.f32 v6, v8  }
0x9d: {  	v5 =	vld [tilespmem:s0+$0x9750];
	v0 =	vmov v7  }
0x9e: {  	v6 =	vld [tilespmem:s0+$0x9700];
	v1 =	vmov v11  }
0x9f: {  	v7 =	vld [tilespmem:s0+$0x9710]  }
0xa0: {  	v9 =	vld [tilespmem:s0+$0x96C0]  }
0xa1: {  	v8 =	vld [tilespmem:s0+$0x96D0]  }
0xa2: {  	v11 =	vld [tilespmem:s0+$0x9680]  }
0xa3: {  	v10 =	vld [tilespmem:s0+$0x9690]  }
.Ltmp1:
0xa4: {  	v17 =	vld [tilespmem:s0+$0x9640];
	(pc) =	sbr.rel @p1 .LBB2_5-.Ltmp1, $4  }
0xa5: {  	v16 =	vld [tilespmem:s0+$0x9650]  }
0xa6: {  	v19 =	vld [tilespmem:s0+$0x9600]  }
0xa7: {  	v20 =	vld [tilespmem:s0+$0x9610]  }
0xa8: {  	s9 =	sadd.s32 $0x800, s9;
	v18 =	vld [tilespmem:s0+$0x9620]  }
0xa9: {  	v21 =	vld [tilespmem:s0+$0x9630]  }
0xaa: {  	v22 =	vld [tilespmem:s0+$0x9660]  }
0xab: {  	v23 =	vld [tilespmem:s0+$0x9670];
	v12 =	vadd.f32 v19, v12  }
0xac: {  	v19 =	vld [tilespmem:s0+$0x96A0];
	v15 =	vadd.f32 v20, v15  }
0xad: {  	v20 =	vld [tilespmem:s0+$0x96B0];
	v14 =	vadd.f32 v18, v14;
	v12 =	vadd.f32 v17, v12  }
0xae: {  	v17 =	vld [tilespmem:s0+$0x96E0];
	v13 =	vadd.f32 v21, v13;
	v15 =	vadd.f32 v16, v15  }
0xaf: {  	v16 =	vld [tilespmem:s0+$0x96F0];
	v14 =	vadd.f32 v22, v14;
	v11 =	vadd.f32 v11, v12  }
0xb0: {  	v12 =	vadd.f32 v23, v13;
	v13 =	vld [tilespmem:s0+$0x9720];
	v10 =	vadd.f32 v10, v15  }
0xb1: {  	v15 =	vld [tilespmem:s0+$0x9730];
	v14 =	vadd.f32 v19, v14;
	v9 =	vadd.f32 v9, v11  }
0xb2: {  	v11 =	vadd.f32 v20, v12;
	v12 =	vld [tilespmem:s0+$0x9760];
	v8 =	vadd.f32 v8, v10  }
0xb3: {  	v10 =	vld [tilespmem:s0+$0x9770];
	v14 =	vadd.f32 v17, v14;
	v6 =	vadd.f32 v6, v9  }
0xb4: {  	v9 =	vadd.f32 v16, v11;
	v11 =	vld [tilespmem:s0+$0x97A0];
	v7 =	vadd.f32 v7, v8  }
0xb5: {  	v8 =	vld [tilespmem:s0+$0x97B0];
	v13 =	vadd.f32 v13, v14;
	v4 =	vadd.f32 v4, v6  }
0xb6: {  	v6 =	vadd.f32 v15, v9;
	v9 =	vld [tilespmem:s0+$0x97E0];
	v5 =	vadd.f32 v5, v7  }
0xb7: {  	v7 =	vld [tilespmem:s0+$0x97F0];
	v12 =	vadd.f32 v12, v13;
	v2 =	vadd.f32 v2, v4  }
0xb8: {  	v4 =	vadd.f32 v10, v6;
	v3 =	vadd.f32 v3, v5  }
0xb9: {  	v5 =	vadd.f32 v11, v12;
	v0 =	vadd.f32 v0, v2  }
0xba: {  	v2 =	vadd.f32 v8, v4;
	v1 =	vadd.f32 v1, v3  }
0xbb: {  	v3 =	vadd.f32 v9, v5;
	[tilespmem:s31+$0x12C40] =	vst v0  }
0xbc: {  	v0 =	vadd.f32 v7, v2;
	[tilespmem:s31+$0x12C50] =	vst v1  }
0xbd: {  	[tilespmem:s31+$0x12C60] =	vst v3  }
0xbe: {  	[tilespmem:s31+$0x12C70] =	vst v0  }
0xbf: {  	_ =	swait.ge [sflag:s24], $0x1A00  }
0xc0: {  	[sflag:s24] =	ssyncset.done $0x0  }
0xc1: {  	[sflag:s24] =	ssyncadd.s32 $0xFFFFE600  }
0xc2: {  	_ =	swait.ge [sflag:s24], $0x1800  }
0xc3: {  	s9 =	simm.s32 @!p0 $0x68;
	[sflag:s24] =	ssyncset.done $0x0  }
0xc4: {  	s11 =	simm.s32 @!p0 $0x9600;
	s0 =	sadd.s32 @!p0 $0x3E8, s1;
	[sflag:s24] =	ssyncadd.s32 $0xFFFFE800  }
0xc5: {  	[tilespmem:s11], [sflag:$0x2] =	stream.indirect.gather @!p0 [hbm4b:s3+s9], $0x40, s0, s9, $0xb8;
	[tilespmem:$0x14C00] =	vst v63  }
0xc6: {  	s0 =	sadd.s32 @!p0 $0x450, s1;
	s9 =	simm.s32 @!p0 $0x60;
	s11 =	simm.s32 @!p0 $0xB000  }
0xc7: {  	[tilespmem:s11], [sflag:$0x2] =	stream.indirect.gather @!p0 [hbm4b:s3+s9], $0x40, s0, s9, $0xb8;
	[tilespmem:$0x14C00] =	vst v63  }
0xc8: {  	s0 =	simm.s32 $0x0  }
0xc9: {  	v0 =	vld [tilespmem:s0+$0xC9C0]  }
0xca: {  	v1 =	vld [tilespmem:s0+$0xC9D0]  }
0xcb: {  	v2 =	vld [tilespmem:s0+$0xC980]  }
0xcc: {  	v3 =	vld [tilespmem:s0+$0xC990]  }
0xcd: {  	v4 =	vld [tilespmem:s0+$0xC940]  }
0xce: {  	v5 =	vld [tilespmem:s0+$0xC950]  }
0xcf: {  	v6 =	vld [tilespmem:s0+$0xC900]  }
0xd0: {  	v7 =	vld [tilespmem:s0+$0xC910]  }
0xd1: {  	v9 =	vld [tilespmem:s0+$0xC8C0]  }
0xd2: {  	v8 =	vld [tilespmem:s0+$0xC8D0]  }
0xd3: {  	v11 =	vld [tilespmem:s0+$0xC880]  }
0xd4: {  	v10 =	vld [tilespmem:s0+$0xC890]  }
0xd5: {  	v17 =	vld [tilespmem:s0+$0xC840]  }
0xd6: {  	v16 =	vld [tilespmem:s0+$0xC850]  }
0xd7: {  	v19 =	vld [tilespmem:s0+$0xC800]  }
0xd8: {  	v14 =	vimm.f32 $0.0e+00;
	v20 =	vld [tilespmem:s0+$0xC810]  }
0xd9: {  	v15 =	vimm.f32 $0.0e+00;
	v13 =	vimm.f32 $0.0e+00;
	v12 =	vimm.f32 $0.0e+00;
	s9 =	simm.s32 $0x800;
	v18 =	vld [tilespmem:s0+$0xC820]  }
.LBB2_7:
0xda: {  	p1 =	sne.s32 s9, $0xC000;
	v21 =	vld [tilespmem:s0+$0xC830]  }
0xdb: {  	v22 =	vld [tilespmem:s0+$0xC860]  }
0xdc: {  	v23 =	vld [tilespmem:s0+$0xC870]  }
0xdd: {  	v24 =	vld [tilespmem:s0+$0xC8A0]  }
0xde: {  	v12 =	vadd.f32 v19, v12;
	v15 =	vadd.f32 v20, v15;
	v19 =	vld [tilespmem:s0+$0xC8B0]  }
0xdf: {  	v14 =	vadd.f32 v18, v14;
	v13 =	vadd.f32 v21, v13;
	v18 =	vld [tilespmem:s0+$0xC8E0]  }
0xe0: {  	v12 =	vadd.f32 v17, v12;
	v15 =	vadd.f32 v16, v15;
	v16 =	vld [tilespmem:s0+$0xC8F0]  }
0xe1: {  	v14 =	vadd.f32 v22, v14;
	v13 =	vadd.f32 v23, v13;
	v17 =	vld [tilespmem:s0+$0xC920]  }
0xe2: {  	v11 =	vadd.f32 v11, v12;
	v10 =	vadd.f32 v10, v15;
	v12 =	vld [tilespmem:s0+$0xC930]  }
0xe3: {  	v14 =	vadd.f32 v24, v14;
	v13 =	vadd.f32 v19, v13;
	v15 =	vld [tilespmem:s0+$0xC960]  }
0xe4: {  	v9 =	vadd.f32 v9, v11;
	v8 =	vadd.f32 v8, v10;
	v10 =	vld [tilespmem:s0+$0xC970]  }
0xe5: {  	v11 =	vadd.f32 v18, v14;
	v13 =	vadd.f32 v16, v13;
	v14 =	vld [tilespmem:s0+$0xC9A0]  }
0xe6: {  	v6 =	vadd.f32 v6, v9;
	v7 =	vadd.f32 v7, v8;
	v8 =	vld [tilespmem:s0+$0xC9B0]  }
0xe7: {  	v9 =	vadd.f32 v17, v11;
	v11 =	vadd.f32 v12, v13;
	v13 =	vld [tilespmem:s0+$0xC9E0]  }
0xe8: {  	v4 =	vadd.f32 v4, v6;
	v5 =	vadd.f32 v5, v7;
	v6 =	vld [tilespmem:s0+$0xC9F0];
	s0 =	sshra.s32 s9, $0x2  }
0xe9: {  	v9 =	vadd.f32 v15, v9;
	v7 =	vld [tilespmem:s0+$0xC9C0];
	v10 =	vadd.f32 v10, v11  }
0xea: {  	v4 =	vadd.f32 v2, v4;
	v5 =	vadd.f32 v3, v5;
	v11 =	vld [tilespmem:s0+$0xC9D0]  }
0xeb: {  	v9 =	vadd.f32 v14, v9;
	v2 =	vld [tilespmem:s0+$0xC980];
	v8 =	vadd.f32 v8, v10  }
0xec: {  	v12 =	vadd.f32 v0, v4;
	v15 =	vadd.f32 v1, v5;
	v3 =	vld [tilespmem:s0+$0xC990]  }
0xed: {  	v14 =	vadd.f32 v13, v9;
	v4 =	vld [tilespmem:s0+$0xC940];
	v13 =	vadd.f32 v6, v8  }
0xee: {  	v5 =	vld [tilespmem:s0+$0xC950];
	v0 =	vmov v7  }
0xef: {  	v6 =	vld [tilespmem:s0+$0xC900];
	v1 =	vmov v11  }
0xf0: {  	v7 =	vld [tilespmem:s0+$0xC910]  }
0xf1: {  	v9 =	vld [tilespmem:s0+$0xC8C0]  }
0xf2: {  	v8 =	vld [tilespmem:s0+$0xC8D0]  }
0xf3: {  	v11 =	vld [tilespmem:s0+$0xC880]  }
0xf4: {  	v10 =	vld [tilespmem:s0+$0xC890]  }
.Ltmp2:
0xf5: {  	v17 =	vld [tilespmem:s0+$0xC840];
	(pc) =	sbr.rel @p1 .LBB2_7-.Ltmp2, $4  }
0xf6: {  	v16 =	vld [tilespmem:s0+$0xC850]  }
0xf7: {  	v19 =	vld [tilespmem:s0+$0xC800]  }
0xf8: {  	v20 =	vld [tilespmem:s0+$0xC810]  }
0xf9: {  	s9 =	sadd.s32 $0x800, s9;
	v18 =	vld [tilespmem:s0+$0xC820]  }
0xfa: {  	v21 =	vld [tilespmem:s0+$0xC830]  }
0xfb: {  	v22 =	vld [tilespmem:s0+$0xC860]  }
0xfc: {  	v23 =	vld [tilespmem:s0+$0xC870];
	v12 =	vadd.f32 v19, v12  }
0xfd: {  	v19 =	vld [tilespmem:s0+$0xC8A0];
	v15 =	vadd.f32 v20, v15  }
0xfe: {  	v20 =	vld [tilespmem:s0+$0xC8B0];
	v14 =	vadd.f32 v18, v14;
	v12 =	vadd.f32 v17, v12  }
0xff: {  	v17 =	vld [tilespmem:s0+$0xC8E0];
	v13 =	vadd.f32 v21, v13;
	v15 =	vadd.f32 v16, v15  }
0x100: {  	v16 =	vld [tilespmem:s0+$0xC8F0];
	v14 =	vadd.f32 v22, v14;
	v11 =	vadd.f32 v11, v12  }
0x101: {  	v12 =	vadd.f32 v23, v13;
	v13 =	vld [tilespmem:s0+$0xC920];
	v10 =	vadd.f32 v10, v15  }
0x102: {  	v15 =	vld [tilespmem:s0+$0xC930];
	v14 =	vadd.f32 v19, v14;
	v9 =	vadd.f32 v9, v11  }
0x103: {  	v11 =	vadd.f32 v20, v12;
	v12 =	vld [tilespmem:s0+$0xC960];
	v8 =	vadd.f32 v8, v10  }
0x104: {  	v10 =	vld [tilespmem:s0+$0xC970];
	v14 =	vadd.f32 v17, v14;
	v6 =	vadd.f32 v6, v9  }
0x105: {  	v9 =	vadd.f32 v16, v11;
	v11 =	vld [tilespmem:s0+$0xC9A0];
	v7 =	vadd.f32 v7, v8  }
0x106: {  	v8 =	vld [tilespmem:s0+$0xC9B0];
	v13 =	vadd.f32 v13, v14;
	v4 =	vadd.f32 v4, v6  }
0x107: {  	v6 =	vadd.f32 v15, v9;
	v9 =	vld [tilespmem:s0+$0xC9E0];
	v5 =	vadd.f32 v5, v7  }
0x108: {  	v7 =	vld [tilespmem:s0+$0xC9F0];
	v12 =	vadd.f32 v12, v13;
	v2 =	vadd.f32 v2, v4  }
0x109: {  	v4 =	vadd.f32 v10, v6;
	v3 =	vadd.f32 v3, v5  }
0x10a: {  	v5 =	vadd.f32 v11, v12;
	v0 =	vadd.f32 v0, v2  }
0x10b: {  	v2 =	vadd.f32 v8, v4;
	v1 =	vadd.f32 v1, v3  }
0x10c: {  	v3 =	vadd.f32 v9, v5;
	[tilespmem:s31+$0x12C80] =	vst v0  }
0x10d: {  	v0 =	vadd.f32 v7, v2;
	[tilespmem:s31+$0x12C90] =	vst v1  }
0x10e: {  	[tilespmem:s31+$0x12CA0] =	vst v3  }
0x10f: {  	[tilespmem:s31+$0x12CB0] =	vst v0  }
0x110: {  	_ =	swait.ge [sflag:s25], $0x1A00  }
0x111: {  	[sflag:s25] =	ssyncset.done $0x0  }
0x112: {  	[sflag:s25] =	ssyncadd.s32 $0xFFFFE600  }
0x113: {  	_ =	swait.ge [sflag:s25], $0x1800  }
0x114: {  	s9 =	simm.s32 @!p0 $0x68;
	[sflag:s25] =	ssyncset.done $0x0  }
0x115: {  	s11 =	simm.s32 @!p0 $0xC800;
	s0 =	sadd.s32 @!p0 $0x4B0, s1;
	[sflag:s25] =	ssyncadd.s32 $0xFFFFE800  }
0x116: {  	[tilespmem:s11], [sflag:$0x3] =	stream.indirect.gather @!p0 [hbm4b:s3+s9], $0x40, s0, s9, $0xb8;
	[tilespmem:$0x14C00] =	vst v63  }
0x117: {  	s0 =	sadd.s32 @!p0 $0x518, s1;
	s1 =	simm.s32 @!p0 $0x60;
	s9 =	simm.s32 @!p0 $0xE200  }
0x118: {  	[tilespmem:s9], [sflag:$0x3] =	stream.indirect.gather @!p0 [hbm4b:s3+s1], $0x40, s0, s1, $0xb8;
	[tilespmem:$0x14C00] =	vst v63  }
0x119: {  	s0 =	simm.s32 $0x0  }
0x11a: {  	v0 =	vld [tilespmem:s0+$0xFBC0]  }
0x11b: {  	v1 =	vld [tilespmem:s0+$0xFBD0]  }
0x11c: {  	v2 =	vld [tilespmem:s0+$0xFB80]  }
0x11d: {  	v3 =	vld [tilespmem:s0+$0xFB90]  }
0x11e: {  	v4 =	vld [tilespmem:s0+$0xFB40]  }
0x11f: {  	v5 =	vld [tilespmem:s0+$0xFB50]  }
0x120: {  	v6 =	vld [tilespmem:s0+$0xFB00]  }
0x121: {  	v7 =	vld [tilespmem:s0+$0xFB10]  }
0x122: {  	v9 =	vld [tilespmem:s0+$0xFAC0]  }
0x123: {  	v8 =	vld [tilespmem:s0+$0xFAD0]  }
0x124: {  	v11 =	vld [tilespmem:s0+$0xFA80]  }
0x125: {  	v10 =	vld [tilespmem:s0+$0xFA90]  }
0x126: {  	v17 =	vld [tilespmem:s0+$0xFA40]  }
0x127: {  	v16 =	vld [tilespmem:s0+$0xFA50]  }
0x128: {  	v19 =	vld [tilespmem:s0+$0xFA00]  }
0x129: {  	v14 =	vimm.f32 $0.0e+00;
	v20 =	vld [tilespmem:s0+$0xFA10]  }
0x12a: {  	v15 =	vimm.f32 $0.0e+00;
	v13 =	vimm.f32 $0.0e+00;
	v12 =	vimm.f32 $0.0e+00;
	s1 =	simm.s32 $0x800;
	v18 =	vld [tilespmem:s0+$0xFA20]  }
.LBB2_9:
0x12b: {  	p0 =	sne.s32 s1, $0xC000;
	v21 =	vld [tilespmem:s0+$0xFA30]  }
0x12c: {  	v22 =	vld [tilespmem:s0+$0xFA60]  }
0x12d: {  	v23 =	vld [tilespmem:s0+$0xFA70]  }
0x12e: {  	v24 =	vld [tilespmem:s0+$0xFAA0]  }
0x12f: {  	v12 =	vadd.f32 v19, v12;
	v15 =	vadd.f32 v20, v15;
	v19 =	vld [tilespmem:s0+$0xFAB0]  }
0x130: {  	v14 =	vadd.f32 v18, v14;
	v13 =	vadd.f32 v21, v13;
	v18 =	vld [tilespmem:s0+$0xFAE0]  }
0x131: {  	v12 =	vadd.f32 v17, v12;
	v15 =	vadd.f32 v16, v15;
	v16 =	vld [tilespmem:s0+$0xFAF0]  }
0x132: {  	v14 =	vadd.f32 v22, v14;
	v13 =	vadd.f32 v23, v13;
	v17 =	vld [tilespmem:s0+$0xFB20]  }
0x133: {  	v11 =	vadd.f32 v11, v12;
	v10 =	vadd.f32 v10, v15;
	v12 =	vld [tilespmem:s0+$0xFB30]  }
0x134: {  	v14 =	vadd.f32 v24, v14;
	v13 =	vadd.f32 v19, v13;
	v15 =	vld [tilespmem:s0+$0xFB60]  }
0x135: {  	v9 =	vadd.f32 v9, v11;
	v8 =	vadd.f32 v8, v10;
	v10 =	vld [tilespmem:s0+$0xFB70]  }
0x136: {  	v11 =	vadd.f32 v18, v14;
	v13 =	vadd.f32 v16, v13;
	v14 =	vld [tilespmem:s0+$0xFBA0]  }
0x137: {  	v6 =	vadd.f32 v6, v9;
	v7 =	vadd.f32 v7, v8;
	v8 =	vld [tilespmem:s0+$0xFBB0]  }
0x138: {  	v9 =	vadd.f32 v17, v11;
	v11 =	vadd.f32 v12, v13;
	v13 =	vld [tilespmem:s0+$0xFBE0]  }
0x139: {  	v4 =	vadd.f32 v4, v6;
	v5 =	vadd.f32 v5, v7;
	v6 =	vld [tilespmem:s0+$0xFBF0];
	s0 =	sshra.s32 s1, $0x2  }
0x13a: {  	v9 =	vadd.f32 v15, v9;
	v7 =	vld [tilespmem:s0+$0xFBC0];
	v10 =	vadd.f32 v10, v11  }
0x13b: {  	v4 =	vadd.f32 v2, v4;
	v5 =	vadd.f32 v3, v5;
	v11 =	vld [tilespmem:s0+$0xFBD0]  }
0x13c: {  	v9 =	vadd.f32 v14, v9;
	v2 =	vld [tilespmem:s0+$0xFB80];
	v8 =	vadd.f32 v8, v10  }
0x13d: {  	v12 =	vadd.f32 v0, v4;
	v15 =	vadd.f32 v1, v5;
	v3 =	vld [tilespmem:s0+$0xFB90]  }
0x13e: {  	v14 =	vadd.f32 v13, v9;
	v4 =	vld [tilespmem:s0+$0xFB40];
	v13 =	vadd.f32 v6, v8  }
0x13f: {  	v5 =	vld [tilespmem:s0+$0xFB50];
	v0 =	vmov v7  }
0x140: {  	v6 =	vld [tilespmem:s0+$0xFB00];
	v1 =	vmov v11  }
0x141: {  	v7 =	vld [tilespmem:s0+$0xFB10]  }
0x142: {  	v9 =	vld [tilespmem:s0+$0xFAC0]  }
0x143: {  	v8 =	vld [tilespmem:s0+$0xFAD0]  }
0x144: {  	v11 =	vld [tilespmem:s0+$0xFA80]  }
0x145: {  	v10 =	vld [tilespmem:s0+$0xFA90]  }
.Ltmp3:
0x146: {  	v17 =	vld [tilespmem:s0+$0xFA40];
	(pc) =	sbr.rel @p0 .LBB2_9-.Ltmp3, $4  }
0x147: {  	v16 =	vld [tilespmem:s0+$0xFA50]  }
0x148: {  	v19 =	vld [tilespmem:s0+$0xFA00]  }
0x149: {  	v20 =	vld [tilespmem:s0+$0xFA10]  }
0x14a: {  	s1 =	sadd.s32 $0x800, s1;
	v18 =	vld [tilespmem:s0+$0xFA20]  }
0x14b: {  	v21 =	vld [tilespmem:s0+$0xFA30]  }
0x14c: {  	v22 =	vld [tilespmem:s0+$0xFA60]  }
0x14d: {  	v23 =	vld [tilespmem:s0+$0xFA70];
	v12 =	vadd.f32 v19, v12  }
0x14e: {  	v43 =	vld [tilespmem:s0+$0xFAA0];
	v15 =	vadd.f32 v20, v15  }
0x14f: {  	v44 =	vld [tilespmem:s0+$0xFAB0];
	v14 =	vadd.f32 v18, v14;
	v12 =	vadd.f32 v17, v12  }
0x150: {  	v45 =	vld [tilespmem:s0+$0xFAE0];
	v13 =	vadd.f32 v21, v13;
	v15 =	vadd.f32 v16, v15  }
0x151: {  	v46 =	vld [tilespmem:s0+$0xFAF0];
	v14 =	vadd.f32 v22, v14;
	v11 =	vadd.f32 v11, v12  }
0x152: {  	v48 =	vld [tilespmem:s0+$0xFB20];
	v47 =	vadd.f32 v23, v13;
	v10 =	vadd.f32 v10, v15  }
0x153: {  	v49 =	vld [tilespmem:s0+$0xFB30];
	v14 =	vadd.f32 v43, v14;
	v9 =	vadd.f32 v9, v11  }
0x154: {  	v51 =	vld [tilespmem:s0+$0xFB60];
	v50 =	vadd.f32 v44, v47;
	v8 =	vadd.f32 v8, v10  }
0x155: {  	v52 =	vld [tilespmem:s0+$0xFB70];
	v14 =	vadd.f32 v45, v14;
	v6 =	vadd.f32 v6, v9  }
0x156: {  	v54 =	vld [tilespmem:s0+$0xFBA0];
	v53 =	vadd.f32 v46, v50;
	v7 =	vadd.f32 v7, v8  }
0x157: {  	v55 =	vld [tilespmem:s0+$0xFBB0];
	v13 =	vadd.f32 v48, v14;
	v4 =	vadd.f32 v4, v6  }
0x158: {  	v57 =	vld [tilespmem:s0+$0xFBE0];
	v56 =	vadd.f32 v49, v53;
	v5 =	vadd.f32 v5, v7  }
0x159: {  	v58 =	vld [tilespmem:s0+$0xFBF0];
	v12 =	vadd.f32 v51, v13;
	v2 =	vadd.f32 v2, v4  }
0x15a: {  	s29 =	sadd.s32 $0x1, s29;
	v59 =	vadd.f32 v52, v56;
	v3 =	vadd.f32 v3, v5  }
0x15b: {  	s31 =	sshll.u32 s30, $0x6;
	p0 =	sne.s32 s29, $0x20;
	v60 =	vadd.f32 v54, v12;
	v0 =	vadd.f32 v0, v2  }
.Ltmp4:
0x15c: {  	s0 =	sand.u32 $0x3FFFFFC0, s31;
	v61 =	vadd.f32 v55, v59;
	v1 =	vadd.f32 v1, v3;
	(pc) =	sbr.rel @p0 .LBB2_2-.Ltmp4, $4  }
0x15d: {  	v62 =	vadd.f32 v57, v60;
	[tilespmem:s0+$0x12C00] =	vst v0  }
0x15e: {  	v63 =	vadd.f32 v58, v61;
	[tilespmem:s0+$0x12C10] =	vst v1  }
0x15f: {  	[tilespmem:s0+$0x12C20] =	vst v62  }
0x160: {  	[tilespmem:s0+$0x12C30] =	vst v63  }
0x161: {  	s28 =	sadd.s32 $0x1, s28  }
0x162: {  	p0 =	sne.s32 s28, s6  }
.Ltmp5:
0x163: {  	_ = 	snop;
	(pc) =	sbr.rel @p0 .LBB2_1-.Ltmp5, $4  }
0x164: {  	[hbm4b:s5+s2] =	stream.linear.scatter [tilespmem:s26], [sflag:$0x5], $0x2000, $0x38;
	[tilespmem:$0x14C00] =	vst v63  }
0x165: {  	_ =	swait.ge [sflag:s7], $0x2000  }
0x166: {  	[sflag:s7] =	ssyncset.done $0x0  }
0x167: {  	[sflag:s7] =	ssyncadd.s32 $0xFFFFE000  }
0x168: {  	_ =	sfence.sel $0x180000  }
0x169: {  	[bflag:$0x0] =	sbarrier.arrive $0xFFFF  }
0x16a: {  	_ =	strace $0x90000047  }
0x16b: {  	s0 =	stileid.u32;
	[bflag:$0x2] =	sbarrier.arrive $0xFFFF  }
0x16c: {  	p0 =	sne.s32 s0, $0x0;
	s0 =	rddreg [dreg:$0x1]  }
0x16d: {  	s0 =	sadd.s32 @!p0 $0x100000, s0  }
0x16e: {  	[sflag:s0] =	ssyncadd.tile.s32 @!p0 $0x1;
	_ =	shalt  }
.Lfunc_end2:
_tile_overlayer_lowered:
.L_overlay_start_2:
0x16f: {  	(tag) =	ssettag $0x2  }
0x170: {  	s0 =	rddreg [dreg:$0x0];
	s2 =	stileid.u32  }
0x171: {  	s1 =	rddreg [dreg:$0x1];
	p0 =	sne.s32 s2, $0x0  }
0x172: {  	s3 =	rddreg [dreg:$0x2];
	[bflag:$0x3] =	sbarrier.arrive $0xFFFF;
	s2 =	simm.s32 @!p0 $0x1C05  }
0x173: {  	[timem:s3], [sflag:s2] =	dma.local @!p0 [hbm:s0], s1  }
0x174: {  	s0 =	simm.s32 @!p0 $0x5  }
0x175: {  	_ =	swait.ge @!p0 [sflag:s0], s1  }
0x176: {  	s1 =	ssub.s32 @!p0 $0x0, s1;
	[sflag:s0] =	ssyncset.done @!p0 $0x0  }
0x177: {  	[sflag:s0] =	ssyncadd.s32 @!p0 s1  }
0x178: {  	[bflag:$0x3] =	sbarrier.arrive $0xFFFF  }
0x179: {  	_ =	shalt  }

</sc_bundles>
